<compile_context>
chip_gen: v7x
topology: tpu7x:2x2x1
jax: 0.10.2.dev20260603
libtpu: 0.0.44.dev20260713+nightly
codegen_flags: <defaults>
</compile_context>

<pallas_src>
import functools

import jax
import jax.numpy as jnp
from jax import lax
from jax.experimental import pallas as pl
from jax.experimental.pallas import tpu as pltpu
from jax.experimental.pallas import tpu_sc as plsc

N = 10000
E = 320000
D = 128

NC = 2
NS = 16
NW = NC * NS
EPW = E // NW
STRIPE = 632
TR = STRIPE * NS

@functools.cache
def _mesh():
    return plsc.VectorSubcoreMesh(
        core_axis_name="c", subcore_axis_name="s",
        num_cores=NC, num_subcores=NS)


@functools.cache
def _hist_kernel():
    return pl.kernel(
        _hist_body,
        out_type=jax.ShapeDtypeStruct((NW, TR), jnp.float32),
        mesh=_mesh(),
        scratch_types=[
            pltpu.VMEM((EPW,), jnp.int32),
            pltpu.VMEM((TR,), jnp.float32),
        ],
        compiler_params=pltpu.CompilerParams(needs_layout_passes=False),
    )


def _hist_body(col_hbm, out_hbm, colbuf, histbuf):
    c = lax.axis_index("c")
    s = lax.axis_index("s")
    wid = s * NC + c

    zvec = jnp.zeros((16,), jnp.float32)
    ones16 = jnp.full((16,), 1.0, jnp.float32)

    def zero16(i, _):
        histbuf[pl.ds(i * 16, 16)] = zvec
        return 0
    lax.fori_loop(0, TR // 16, zero16, 0)

    base = pl.multiple_of(wid * EPW, 8)
    pltpu.sync_copy(col_hbm.at[pl.ds(base, EPW)], colbuf)

    def count16(i, _):
        idx = colbuf[pl.ds(i * 16, 16)]
        plsc.addupdate_scatter(histbuf, [idx], ones16)
        return 0
    lax.fori_loop(0, EPW // 16, count16, 0)

    pltpu.sync_copy(histbuf, out_hbm.at[wid])


GW = 128
GCH = 80
EPAD = NW * GCH * GW
NBUF = 2
NHALF = 2
GCH_H = GCH // NHALF


@functools.cache
def _agg_kernel():
    return pl.kernel(
        _agg_body,
        out_type=jax.ShapeDtypeStruct((NC, TR, D), jnp.float32),
        mesh=_mesh(),
        scratch_types=[
            pltpu.VMEM((GCH_H, GW), jnp.int32),
            pltpu.VMEM((GCH_H, GW), jnp.int32),
            pltpu.VMEM((NBUF, GW, D), jnp.float32),
            pltpu.VMEM_SHARED((TR, D), jnp.float32),
            pltpu.SemaphoreType.DMA((NBUF,)),
            pltpu.SemaphoreType.DMA((NBUF,)),
        ],
    )


def _agg_body(y_hbm, row_hbm, col_hbm, out_hbm,
              rowb, colb, ringbuf, acc, gsem, ssem):
    rows = [ringbuf.at[b] for b in range(NBUF)]
    c = lax.axis_index("c")
    s = lax.axis_index("s")
    wid = s * NC + c

    zvec = jnp.zeros((16,), jnp.float32)

    def zero_row(i, _):
        for b in range(NBUF):
            for j in range(D // 16):
                ringbuf[b, i, pl.ds(j * 16, 16)] = zvec
        return 0
    lax.fori_loop(0, GW, zero_row, 0)
    for k in range(4):
        pltpu.sync_copy(rows[0], acc.at[pl.ds(s * STRIPE + k * GW, GW)])
    pltpu.sync_copy(ringbuf.at[1].at[pl.ds(0, 120)],
                    acc.at[pl.ds(s * STRIPE + 4 * GW, 120)])
    plsc.subcore_barrier()

    for h in range(NHALF):
        pltpu.sync_copy(row_hbm.at[wid, pl.ds(h * GCH_H, GCH_H)], rowb)
        pltpu.sync_copy(col_hbm.at[wid, pl.ds(h * GCH_H, GCH_H)], colb)

        for b in range(NBUF):
            pltpu.async_copy(y_hbm.at[rowb.at[b]], rows[b], gsem.at[b])

        def ring(t, _):
            for b in range(NBUF):
                g = t * NBUF + b
                pltpu.make_async_copy(y_hbm.at[rowb.at[g]], rows[b],
                                      gsem.at[b]).wait()
                pltpu.async_copy(rows[b], acc.at[colb.at[g]], ssem.at[b],
                                 add=True)

                @pl.when(g + NBUF < GCH_H)
                def _refill():
                    pltpu.make_async_copy(rows[b], acc.at[colb.at[g]],
                                          ssem.at[b]).wait()
                    pltpu.async_copy(y_hbm.at[rowb.at[g + NBUF]], rows[b],
                                     gsem.at[b])
            return 0
        lax.fori_loop(0, GCH_H // NBUF, ring, 0)

        for b in range(NBUF):
            pltpu.make_async_copy(rows[b], acc.at[colb.at[0]],
                                  ssem.at[b]).wait()
    plsc.subcore_barrier()

    pltpu.sync_copy(acc.at[pl.ds(s * STRIPE, STRIPE)],
                    out_hbm.at[c, pl.ds(s * STRIPE, STRIPE)])


_BLK = 1024


def _scale_matmul_body(x_ref, w_ref, h_ref, y_ref):
    deg = 1.0 + jnp.sum(h_ref[...], axis=0)
    dis = lax.rsqrt(deg)
    xl = jnp.dot(x_ref[...], w_ref[...], preferred_element_type=jnp.float32)
    y_ref[...] = xl * dis[:, None]


def _finish_body(p_ref, y_ref, h_ref, b_ref, pw_ref, o_ref):
    deg = 1.0 + jnp.sum(h_ref[...], axis=0)
    dis = lax.rsqrt(deg)
    z = dis[:, None] * (p_ref[0] + p_ref[1] + y_ref[...]) + b_ref[...]
    o_ref[...] = jnp.where(z >= 0, z, pw_ref[...] * z)


def kernel(x, edge_index, W, b, prelu_w):
    row = edge_index[0].astype(jnp.int32)
    col = edge_index[1].astype(jnp.int32)

    extra = EPAD - E
    pad_i = jnp.arange(extra, dtype=jnp.int32)
    row_p = jnp.concatenate([row, pad_i % N]).reshape(NW, GCH, GW)
    col_p = jnp.concatenate([col, N + pad_i % (TR - N)]).reshape(NW, GCH, GW)

    hist = _hist_kernel()(col)

    y = pl.pallas_call(
        _scale_matmul_body,
        grid=(pl.cdiv(N, _BLK),),
        in_specs=[
            pl.BlockSpec((_BLK, D), lambda i: (i, 0)),
            pl.BlockSpec((D, D), lambda i: (0, 0)),
            pl.BlockSpec((NW, _BLK), lambda i: (0, i)),
        ],
        out_specs=pl.BlockSpec((_BLK, D), lambda i: (i, 0)),
        out_shape=jax.ShapeDtypeStruct((N, D), jnp.float32),
    )(x, W, hist)

    parts = _agg_kernel()(y, row_p, col_p)

    out = pl.pallas_call(
        _finish_body,
        grid=(pl.cdiv(N, _BLK),),
        in_specs=[
            pl.BlockSpec((NC, _BLK, D), lambda i: (0, i, 0)),
            pl.BlockSpec((_BLK, D), lambda i: (i, 0)),
            pl.BlockSpec((NW, _BLK), lambda i: (0, i)),
            pl.BlockSpec((D,), lambda i: (0,)),
            pl.BlockSpec((D,), lambda i: (0,)),
        ],
        out_specs=pl.BlockSpec((_BLK, D), lambda i: (i, 0)),
        out_shape=jax.ShapeDtypeStruct((N, D), jnp.float32),
    )(parts, y, hist, b, prelu_w)

    return out

# --- scband reference (transcript-rebuilt; emitter-appended) ---
"""Pipeline reference for scband-encoder-695784702040 (READ-ONLY COPY).

The authoritative reference and input builder live on the scoring server;
editing this copy changes nothing except your own understanding.
"""

import jax, jax.numpy as jnp
import numpy as np

N = 10000
E = 320000
D_IN = 128
D_HID = 128

def setup_inputs(seed: int = 0) -> dict:
    key = jax.random.key(seed)
    k1, k2, k3 = jax.random.split(key, 3)
    x = jax.random.normal(k1, (N, D_IN), dtype=jnp.float32)
    edge_index = jax.random.randint(k2, (2, E), 0, N, dtype=jnp.int32).astype(jnp.int64)
    # GCNConv linear weight (glorot-ish init), bias, and PReLU per-channel weight
    W = jax.random.normal(k3, (D_IN, D_HID), dtype=jnp.float32) * (1.0 / np.sqrt(D_IN))
    b = jnp.zeros((D_HID,), dtype=jnp.float32)
    prelu_w = jnp.full((D_HID,), 0.25, dtype=jnp.float32)
    return {"x": x, "edge_index": edge_index, "W": W, "b": b, "prelu_w": prelu_w}

def reference(x, edge_index, W, b, prelu_w):
    n = x.shape[0]
    # linear transform
    xl = x @ W
    row = edge_index[0]
    col = edge_index[1]
    # add self loops
    loop = jnp.arange(n, dtype=row.dtype)
    row_sl = jnp.concatenate([row, loop])
    col_sl = jnp.concatenate([col, loop])
    # symmetric normalization D^{-1/2} (A+I) D^{-1/2}
    ones_w = jnp.ones(row_sl.shape[0], dtype=xl.dtype)
    deg = jax.ops.segment_sum(ones_w, col_sl, num_segments=n)
    deg_inv_sqrt = jnp.where(deg > 0, deg ** -0.5, 0.0)
    norm = deg_inv_sqrt[row_sl] * deg_inv_sqrt[col_sl]
    # message = norm * x_j (gather from source), aggregate sum at target
    msg = xl[row_sl] * norm[:, None]
    out = jax.ops.segment_sum(msg, col_sl, num_segments=n)
    out = out + b
    # PReLU with per-channel weight
    out = jnp.where(out >= 0, out, prelu_w * out)
    return out

if __name__ == "__main__":
    import jax
    _d = setup_inputs()
    print(jax.jit(kernel)(*tuple(_d.values())))

</pallas_src>

<mosaic_0001>
#map = affine_map<(d0, d1) -> (0, 0)>
#map1 = affine_map<(d0, d1) -> (0, 0, 0)>
module attributes {stable_mosaic.version = 14 : i64} {
  func.func @_agg_body(%arg0: i32, %arg1: i32, %arg2: memref<10000x128xf32, #tpu.memory_space<hbm>>, %arg3: memref<32x80x128xi32, #tpu.memory_space<hbm>>, %arg4: memref<32x80x128xi32, #tpu.memory_space<hbm>>, %arg5: memref<2x10112x128xf32, #tpu.memory_space<hbm>>, %arg6: memref<40x128xi32, #tpu.memory_space<vmem>>, %arg7: memref<40x128xi32, #tpu.memory_space<vmem>>, %arg8: memref<2x128x128xf32, #tpu.memory_space<vmem>>, %arg9: memref<10112x128xf32, #tpu.memory_space<vmem_shared>>, %arg10: memref<2x!tpu.dma_semaphore, #tpu.memory_space<semaphore_mem>>, %arg11: memref<2x!tpu.dma_semaphore, #tpu.memory_space<semaphore_mem>>) attributes {dimension_semantics = [#tpu.dimension_semantics<core_parallel>, #tpu.dimension_semantics<subcore_parallel>], iteration_bounds = array<i64: 2, 16>, scalar_prefetch = 0 : i64, scratch_operands = 6 : i64, tpu.core_type = #tpu.core_type<sc_vector_subcore>, window_params = [{transform_indices = #map}, {transform_indices = #map1}, {transform_indices = #map1}, {transform_indices = #map1}]} {
    %mul3A = arith.constant 2 : i32
    %mul3A_0 = arith.muli %arg1, %mul3A : i32
    %add3A = arith.addi %mul3A_0, %arg0 : i32
    %broadcast_in_dim3A = arith.constant 0.000000e+00 : f32
    %broadcast_in_dim3A_1 = vector.broadcast %broadcast_in_dim3A : f32 to vector<16xf32>
    %scan3A = arith.constant 0 : i32
    %scan3A_2 = arith.constant 0 : i32
    %scan3A_3 = arith.constant 128 : i32
    %scan3A_4 = arith.addi %scan3A_2, %scan3A_3 : i32
    %scan3A_5 = arith.constant 1 : i32
    %scan3A_6 = scf.for %scan3A_173 = %scan3A_2 to %scan3A_4 step %scan3A_5 iter_args(%scan3A_174 = %scan3A) -> (i32)  : i32 {
      %swap3A = arith.constant 0 : i32
      %swap3A_175 = arith.index_cast %swap3A : i32 to index
      %swap3A_176 = arith.index_cast %scan3A_173 : i32 to index
      %swap3A_177 = arith.constant 0 : index
      %swap3A_178 = tpu.vector_load %arg8[%swap3A_175, %swap3A_176, %swap3A_177] {strides = array<i32>} : memref<2x128x128xf32, #tpu.memory_space<vmem>>, vector<1x1x16xf32>,
      %swap3A_179 = vector.shape_cast %swap3A_178 : vector<1x1x16xf32> to vector<16xf32>
      %swap3A_180 = vector.shape_cast %broadcast_in_dim3A_1 : vector<16xf32> to vector<1x1x16xf32>
      tpu.vector_store %arg8[%swap3A_175, %swap3A_176, %swap3A_177], %swap3A_180 {strides = array<i32>} : memref<2x128x128xf32, #tpu.memory_space<vmem>>, vector<1x1x16xf32>,
      %swap3A_181 = arith.constant 0 : i32
      %swap3A_182 = arith.index_cast %swap3A_181 : i32 to index
      %swap3A_183 = arith.index_cast %scan3A_173 : i32 to index
      %swap3A_184 = arith.constant 16 : index
      %swap3A_185 = tpu.vector_load %arg8[%swap3A_182, %swap3A_183, %swap3A_184] {strides = array<i32>} : memref<2x128x128xf32, #tpu.memory_space<vmem>>, vector<1x1x16xf32>,
      %swap3A_186 = vector.shape_cast %swap3A_185 : vector<1x1x16xf32> to vector<16xf32>
      %swap3A_187 = vector.shape_cast %broadcast_in_dim3A_1 : vector<16xf32> to vector<1x1x16xf32>
      tpu.vector_store %arg8[%swap3A_182, %swap3A_183, %swap3A_184], %swap3A_187 {strides = array<i32>} : memref<2x128x128xf32, #tpu.memory_space<vmem>>, vector<1x1x16xf32>,
      %swap3A_188 = arith.constant 0 : i32
      %swap3A_189 = arith.index_cast %swap3A_188 : i32 to index
      %swap3A_190 = arith.index_cast %scan3A_173 : i32 to index
      %swap3A_191 = arith.constant 32 : index
      %swap3A_192 = tpu.vector_load %arg8[%swap3A_189, %swap3A_190, %swap3A_191] {strides = array<i32>} : memref<2x128x128xf32, #tpu.memory_space<vmem>>, vector<1x1x16xf32>,
      %swap3A_193 = vector.shape_cast %swap3A_192 : vector<1x1x16xf32> to vector<16xf32>
      %swap3A_194 = vector.shape_cast %broadcast_in_dim3A_1 : vector<16xf32> to vector<1x1x16xf32>
      tpu.vector_store %arg8[%swap3A_189, %swap3A_190, %swap3A_191], %swap3A_194 {strides = array<i32>} : memref<2x128x128xf32, #tpu.memory_space<vmem>>, vector<1x1x16xf32>,
      %swap3A_195 = arith.constant 0 : i32
      %swap3A_196 = arith.index_cast %swap3A_195 : i32 to index
      %swap3A_197 = arith.index_cast %scan3A_173 : i32 to index
      %swap3A_198 = arith.constant 48 : index
      %swap3A_199 = tpu.vector_load %arg8[%swap3A_196, %swap3A_197, %swap3A_198] {strides = array<i32>} : memref<2x128x128xf32, #tpu.memory_space<vmem>>, vector<1x1x16xf32>,
      %swap3A_200 = vector.shape_cast %swap3A_199 : vector<1x1x16xf32> to vector<16xf32>
      %swap3A_201 = vector.shape_cast %broadcast_in_dim3A_1 : vector<16xf32> to vector<1x1x16xf32>
      tpu.vector_store %arg8[%swap3A_196, %swap3A_197, %swap3A_198], %swap3A_201 {strides = array<i32>} : memref<2x128x128xf32, #tpu.memory_space<vmem>>, vector<1x1x16xf32>,
      %swap3A_202 = arith.constant 0 : i32
      %swap3A_203 = arith.index_cast %swap3A_202 : i32 to index
      %swap3A_204 = arith.index_cast %scan3A_173 : i32 to index
      %swap3A_205 = arith.constant 64 : index
      %swap3A_206 = tpu.vector_load %arg8[%swap3A_203, %swap3A_204, %swap3A_205] {strides = array<i32>} : memref<2x128x128xf32, #tpu.memory_space<vmem>>, vector<1x1x16xf32>,
      %swap3A_207 = vector.shape_cast %swap3A_206 : vector<1x1x16xf32> to vector<16xf32>
      %swap3A_208 = vector.shape_cast %broadcast_in_dim3A_1 : vector<16xf32> to vector<1x1x16xf32>
      tpu.vector_store %arg8[%swap3A_203, %swap3A_204, %swap3A_205], %swap3A_208 {strides = array<i32>} : memref<2x128x128xf32, #tpu.memory_space<vmem>>, vector<1x1x16xf32>,
      %swap3A_209 = arith.constant 0 : i32
      %swap3A_210 = arith.index_cast %swap3A_209 : i32 to index
      %swap3A_211 = arith.index_cast %scan3A_173 : i32 to index
      %swap3A_212 = arith.constant 80 : index
      %swap3A_213 = tpu.vector_load %arg8[%swap3A_210, %swap3A_211, %swap3A_212] {strides = array<i32>} : memref<2x128x128xf32, #tpu.memory_space<vmem>>, vector<1x1x16xf32>,
      %swap3A_214 = vector.shape_cast %swap3A_213 : vector<1x1x16xf32> to vector<16xf32>
      %swap3A_215 = vector.shape_cast %broadcast_in_dim3A_1 : vector<16xf32> to vector<1x1x16xf32>
      tpu.vector_store %arg8[%swap3A_210, %swap3A_211, %swap3A_212], %swap3A_215 {strides = array<i32>} : memref<2x128x128xf32, #tpu.memory_space<vmem>>, vector<1x1x16xf32>,
      %swap3A_216 = arith.constant 0 : i32
      %swap3A_217 = arith.index_cast %swap3A_216 : i32 to index
      %swap3A_218 = arith.index_cast %scan3A_173 : i32 to index
      %swap3A_219 = arith.constant 96 : index
      %swap3A_220 = tpu.vector_load %arg8[%swap3A_217, %swap3A_218, %swap3A_219] {strides = array<i32>} : memref<2x128x128xf32, #tpu.memory_space<vmem>>, vector<1x1x16xf32>,
      %swap3A_221 = vector.shape_cast %swap3A_220 : vector<1x1x16xf32> to vector<16xf32>
      %swap3A_222 = vector.shape_cast %broadcast_in_dim3A_1 : vector<16xf32> to vector<1x1x16xf32>
      tpu.vector_store %arg8[%swap3A_217, %swap3A_218, %swap3A_219], %swap3A_222 {strides = array<i32>} : memref<2x128x128xf32, #tpu.memory_space<vmem>>, vector<1x1x16xf32>,
      %swap3A_223 = arith.constant 0 : i32
      %swap3A_224 = arith.index_cast %swap3A_223 : i32 to index
      %swap3A_225 = arith.index_cast %scan3A_173 : i32 to index
      %swap3A_226 = arith.constant 112 : index
      %swap3A_227 = tpu.vector_load %arg8[%swap3A_224, %swap3A_225, %swap3A_226] {strides = array<i32>} : memref<2x128x128xf32, #tpu.memory_space<vmem>>, vector<1x1x16xf32>,
      %swap3A_228 = vector.shape_cast %swap3A_227 : vector<1x1x16xf32> to vector<16xf32>
      %swap3A_229 = vector.shape_cast %broadcast_in_dim3A_1 : vector<16xf32> to vector<1x1x16xf32>
      tpu.vector_store %arg8[%swap3A_224, %swap3A_225, %swap3A_226], %swap3A_229 {strides = array<i32>} : memref<2x128x128xf32, #tpu.memory_space<vmem>>, vector<1x1x16xf32>,
      %swap3A_230 = arith.constant 1 : i32
      %swap3A_231 = arith.index_cast %swap3A_230 : i32 to index
      %swap3A_232 = arith.index_cast %scan3A_173 : i32 to index
      %swap3A_233 = arith.constant 0 : index
      %swap3A_234 = tpu.vector_load %arg8[%swap3A_231, %swap3A_232, %swap3A_233] {strides = array<i32>} : memref<2x128x128xf32, #tpu.memory_space<vmem>>, vector<1x1x16xf32>,
      %swap3A_235 = vector.shape_cast %swap3A_234 : vector<1x1x16xf32> to vector<16xf32>
      %swap3A_236 = vector.shape_cast %broadcast_in_dim3A_1 : vector<16xf32> to vector<1x1x16xf32>
      tpu.vector_store %arg8[%swap3A_231, %swap3A_232, %swap3A_233], %swap3A_236 {strides = array<i32>} : memref<2x128x128xf32, #tpu.memory_space<vmem>>, vector<1x1x16xf32>,
      %swap3A_237 = arith.constant 1 : i32
      %swap3A_238 = arith.index_cast %swap3A_237 : i32 to index
      %swap3A_239 = arith.index_cast %scan3A_173 : i32 to index
      %swap3A_240 = arith.constant 16 : index
      %swap3A_241 = tpu.vector_load %arg8[%swap3A_238, %swap3A_239, %swap3A_240] {strides = array<i32>} : memref<2x128x128xf32, #tpu.memory_space<vmem>>, vector<1x1x16xf32>,
      %swap3A_242 = vector.shape_cast %swap3A_241 : vector<1x1x16xf32> to vector<16xf32>
      %swap3A_243 = vector.shape_cast %broadcast_in_dim3A_1 : vector<16xf32> to vector<1x1x16xf32>
      tpu.vector_store %arg8[%swap3A_238, %swap3A_239, %swap3A_240], %swap3A_243 {strides = array<i32>} : memref<2x128x128xf32, #tpu.memory_space<vmem>>, vector<1x1x16xf32>,
      %swap3A_244 = arith.constant 1 : i32
      %swap3A_245 = arith.index_cast %swap3A_244 : i32 to index
      %swap3A_246 = arith.index_cast %scan3A_173 : i32 to index
      %swap3A_247 = arith.constant 32 : index
      %swap3A_248 = tpu.vector_load %arg8[%swap3A_245, %swap3A_246, %swap3A_247] {strides = array<i32>} : memref<2x128x128xf32, #tpu.memory_space<vmem>>, vector<1x1x16xf32>,
      %swap3A_249 = vector.shape_cast %swap3A_248 : vector<1x1x16xf32> to vector<16xf32>
      %swap3A_250 = vector.shape_cast %broadcast_in_dim3A_1 : vector<16xf32> to vector<1x1x16xf32>
      tpu.vector_store %arg8[%swap3A_245, %swap3A_246, %swap3A_247], %swap3A_250 {strides = array<i32>} : memref<2x128x128xf32, #tpu.memory_space<vmem>>, vector<1x1x16xf32>,
      %swap3A_251 = arith.constant 1 : i32
      %swap3A_252 = arith.index_cast %swap3A_251 : i32 to index
      %swap3A_253 = arith.index_cast %scan3A_173 : i32 to index
      %swap3A_254 = arith.constant 48 : index
      %swap3A_255 = tpu.vector_load %arg8[%swap3A_252, %swap3A_253, %swap3A_254] {strides = array<i32>} : memref<2x128x128xf32, #tpu.memory_space<vmem>>, vector<1x1x16xf32>,
      %swap3A_256 = vector.shape_cast %swap3A_255 : vector<1x1x16xf32> to vector<16xf32>
      %swap3A_257 = vector.shape_cast %broadcast_in_dim3A_1 : vector<16xf32> to vector<1x1x16xf32>
      tpu.vector_store %arg8[%swap3A_252, %swap3A_253, %swap3A_254], %swap3A_257 {strides = array<i32>} : memref<2x128x128xf32, #tpu.memory_space<vmem>>, vector<1x1x16xf32>,
      %swap3A_258 = arith.constant 1 : i32
      %swap3A_259 = arith.index_cast %swap3A_258 : i32 to index
      %swap3A_260 = arith.index_cast %scan3A_173 : i32 to index
      %swap3A_261 = arith.constant 64 : index
      %swap3A_262 = tpu.vector_load %arg8[%swap3A_259, %swap3A_260, %swap3A_261] {strides = array<i32>} : memref<2x128x128xf32, #tpu.memory_space<vmem>>, vector<1x1x16xf32>,
      %swap3A_263 = vector.shape_cast %swap3A_262 : vector<1x1x16xf32> to vector<16xf32>
      %swap3A_264 = vector.shape_cast %broadcast_in_dim3A_1 : vector<16xf32> to vector<1x1x16xf32>
      tpu.vector_store %arg8[%swap3A_259, %swap3A_260, %swap3A_261], %swap3A_264 {strides = array<i32>} : memref<2x128x128xf32, #tpu.memory_space<vmem>>, vector<1x1x16xf32>,
      %swap3A_265 = arith.constant 1 : i32
      %swap3A_266 = arith.index_cast %swap3A_265 : i32 to index
      %swap3A_267 = arith.index_cast %scan3A_173 : i32 to index
      %swap3A_268 = arith.constant 80 : index
      %swap3A_269 = tpu.vector_load %arg8[%swap3A_266, %swap3A_267, %swap3A_268] {strides = array<i32>} : memref<2x128x128xf32, #tpu.memory_space<vmem>>, vector<1x1x16xf32>,
      %swap3A_270 = vector.shape_cast %swap3A_269 : vector<1x1x16xf32> to vector<16xf32>
      %swap3A_271 = vector.shape_cast %broadcast_in_dim3A_1 : vector<16xf32> to vector<1x1x16xf32>
      tpu.vector_store %arg8[%swap3A_266, %swap3A_267, %swap3A_268], %swap3A_271 {strides = array<i32>} : memref<2x128x128xf32, #tpu.memory_space<vmem>>, vector<1x1x16xf32>,
      %swap3A_272 = arith.constant 1 : i32
      %swap3A_273 = arith.index_cast %swap3A_272 : i32 to index
      %swap3A_274 = arith.index_cast %scan3A_173 : i32 to index
      %swap3A_275 = arith.constant 96 : index
      %swap3A_276 = tpu.vector_load %arg8[%swap3A_273, %swap3A_274, %swap3A_275] {strides = array<i32>} : memref<2x128x128xf32, #tpu.memory_space<vmem>>, vector<1x1x16xf32>,
      %swap3A_277 = vector.shape_cast %swap3A_276 : vector<1x1x16xf32> to vector<16xf32>
      %swap3A_278 = vector.shape_cast %broadcast_in_dim3A_1 : vector<16xf32> to vector<1x1x16xf32>
      tpu.vector_store %arg8[%swap3A_273, %swap3A_274, %swap3A_275], %swap3A_278 {strides = array<i32>} : memref<2x128x128xf32, #tpu.memory_space<vmem>>, vector<1x1x16xf32>,
      %swap3A_279 = arith.constant 1 : i32
      %swap3A_280 = arith.index_cast %swap3A_279 : i32 to index
      %swap3A_281 = arith.index_cast %scan3A_173 : i32 to index
      %swap3A_282 = arith.constant 112 : index
      %swap3A_283 = tpu.vector_load %arg8[%swap3A_280, %swap3A_281, %swap3A_282] {strides = array<i32>} : memref<2x128x128xf32, #tpu.memory_space<vmem>>, vector<1x1x16xf32>,
      %swap3A_284 = vector.shape_cast %swap3A_283 : vector<1x1x16xf32> to vector<16xf32>
      %swap3A_285 = vector.shape_cast %broadcast_in_dim3A_1 : vector<16xf32> to vector<1x1x16xf32>
      tpu.vector_store %arg8[%swap3A_280, %swap3A_281, %swap3A_282], %swap3A_285 {strides = array<i32>} : memref<2x128x128xf32, #tpu.memory_space<vmem>>, vector<1x1x16xf32>,
      %scan3A_286 = arith.constant 0 : i32
      scf.yield %scan3A_286 : i32
    }
    %scan3A_7 = arith.constant 128 : i32
    %mul3A_8 = arith.constant 632 : i32
    %mul3A_9 = arith.muli %arg1, %mul3A_8 : i32
    %add3A_10 = arith.constant 0 : i32
    %add3A_11 = arith.addi %mul3A_9, %add3A_10 : i32
    %run_scoped3A = arith.constant 0 : i32
    "tpu.region"() ({
      %run_scoped3A_173 = tpu.sem_alloc : memref<!tpu.dma_semaphore, #tpu.memory_space<semaphore_mem>>
      %dma_start3A_174 = arith.constant 0 : i32
      %dma_start3A_175 = arith.constant 0 : i32
      %dma_start3A_176 = tpu.memref_slice %arg8[%run_scoped3A, %dma_start3A_174, %dma_start3A_175] : memref<2x128x128xf32, #tpu.memory_space<vmem>> -> memref<1x128x128xf32, #tpu.memory_space<vmem>>
      %dma_start3A_177 = tpu.memref_squeeze %dma_start3A_176 : memref<1x128x128xf32, #tpu.memory_space<vmem>> -> memref<128x128xf32, #tpu.memory_space<vmem>>
      %dma_start3A_178 = arith.constant 0 : i32
      %dma_start3A_179 = tpu.memref_slice %arg9[%add3A_11, %dma_start3A_178] : memref<10112x128xf32, #tpu.memory_space<vmem_shared>> -> memref<128x128xf32, #tpu.memory_space<vmem_shared>>
      %dma_start3A_180 = arith.constant 0 : i32
      %dma_start3A_181 = tpu.memref_slice %arg9[%add3A_11, %dma_start3A_180] : memref<10112x128xf32, #tpu.memory_space<vmem_shared>> -> memref<128x128xf32, #tpu.memory_space<vmem_shared>>
      %dma_start3A_182 = arith.constant 0 : i32
      %dma_start3A_183 = arith.constant 0 : i32
      %dma_start3A_184 = tpu.memref_slice %arg8[%run_scoped3A, %dma_start3A_182, %dma_start3A_183] : memref<2x128x128xf32, #tpu.memory_space<vmem>> -> memref<1x128x128xf32, #tpu.memory_space<vmem>>
      %dma_start3A_185 = tpu.memref_squeeze %dma_start3A_184 : memref<1x128x128xf32, #tpu.memory_space<vmem>> -> memref<128x128xf32, #tpu.memory_space<vmem>>
      tpu.enqueue_dma source(%dma_start3A_185 : memref<128x128xf32, #tpu.memory_space<vmem>>) target(%dma_start3A_181 : memref<128x128xf32, #tpu.memory_space<vmem_shared>>) target_semaphore(%run_scoped3A_173 : memref<!tpu.dma_semaphore, #tpu.memory_space<semaphore_mem>>)
      %dma_wait3A_186 = arith.constant 0 : i32
      %dma_wait3A_187 = arith.constant 0 : i32
      %dma_wait3A_188 = tpu.memref_slice %arg8[%run_scoped3A, %dma_wait3A_186, %dma_wait3A_187] : memref<2x128x128xf32, #tpu.memory_space<vmem>> -> memref<1x128x128xf32, #tpu.memory_space<vmem>>
      %dma_wait3A_189 = tpu.memref_squeeze %dma_wait3A_188 : memref<1x128x128xf32, #tpu.memory_space<vmem>> -> memref<128x128xf32, #tpu.memory_space<vmem>>
      %dma_wait3A_190 = arith.constant 0 : i32
      %dma_wait3A_191 = tpu.memref_slice %arg9[%add3A_11, %dma_wait3A_190] : memref<10112x128xf32, #tpu.memory_space<vmem_shared>> -> memref<128x128xf32, #tpu.memory_space<vmem_shared>>
      %dma_wait3A_192 = arith.constant 0 : i32
      %dma_wait3A_193 = tpu.memref_slice %arg9[%add3A_11, %dma_wait3A_192] : memref<10112x128xf32, #tpu.memory_space<vmem_shared>> -> memref<128x128xf32, #tpu.memory_space<vmem_shared>>
      %dma_wait3A_194 = arith.constant 0 : i32
      %dma_wait3A_195 = arith.constant 0 : i32
      %dma_wait3A_196 = tpu.memref_slice %arg8[%run_scoped3A, %dma_wait3A_194, %dma_wait3A_195] : memref<2x128x128xf32, #tpu.memory_space<vmem>> -> memref<1x128x128xf32, #tpu.memory_space<vmem>>
      %dma_wait3A_197 = tpu.memref_squeeze %dma_wait3A_196 : memref<1x128x128xf32, #tpu.memory_space<vmem>> -> memref<128x128xf32, #tpu.memory_space<vmem>>
      tpu.wait_dma2 semaphore(%run_scoped3A_173 : memref<!tpu.dma_semaphore, #tpu.memory_space<semaphore_mem>>) src(%dma_wait3A_197 : memref<128x128xf32, #tpu.memory_space<vmem>>) dst(%dma_wait3A_193 : memref<128x128xf32, #tpu.memory_space<vmem_shared>>)
      tpu.yield
    }) : () -> ()
    %mul3A_12 = arith.constant 632 : i32
    %mul3A_13 = arith.muli %arg1, %mul3A_12 : i32
    %add3A_14 = arith.constant 128 : i32
    %add3A_15 = arith.addi %mul3A_13, %add3A_14 : i32
    %run_scoped3A_16 = arith.constant 0 : i32
    "tpu.region"() ({
      %run_scoped3A_173 = tpu.sem_alloc : memref<!tpu.dma_semaphore, #tpu.memory_space<semaphore_mem>>
      %dma_start3A_174 = arith.constant 0 : i32
      %dma_start3A_175 = arith.constant 0 : i32
      %dma_start3A_176 = tpu.memref_slice %arg8[%run_scoped3A_16, %dma_start3A_174, %dma_start3A_175] : memref<2x128x128xf32, #tpu.memory_space<vmem>> -> memref<1x128x128xf32, #tpu.memory_space<vmem>>
      %dma_start3A_177 = tpu.memref_squeeze %dma_start3A_176 : memref<1x128x128xf32, #tpu.memory_space<vmem>> -> memref<128x128xf32, #tpu.memory_space<vmem>>
      %dma_start3A_178 = arith.constant 0 : i32
      %dma_start3A_179 = tpu.memref_slice %arg9[%add3A_15, %dma_start3A_178] : memref<10112x128xf32, #tpu.memory_space<vmem_shared>> -> memref<128x128xf32, #tpu.memory_space<vmem_shared>>
      %dma_start3A_180 = arith.constant 0 : i32
      %dma_start3A_181 = tpu.memref_slice %arg9[%add3A_15, %dma_start3A_180] : memref<10112x128xf32, #tpu.memory_space<vmem_shared>> -> memref<128x128xf32, #tpu.memory_space<vmem_shared>>
      %dma_start3A_182 = arith.constant 0 : i32
      %dma_start3A_183 = arith.constant 0 : i32
      %dma_start3A_184 = tpu.memref_slice %arg8[%run_scoped3A_16, %dma_start3A_182, %dma_start3A_183] : memref<2x128x128xf32, #tpu.memory_space<vmem>> -> memref<1x128x128xf32, #tpu.memory_space<vmem>>
      %dma_start3A_185 = tpu.memref_squeeze %dma_start3A_184 : memref<1x128x128xf32, #tpu.memory_space<vmem>> -> memref<128x128xf32, #tpu.memory_space<vmem>>
      tpu.enqueue_dma source(%dma_start3A_185 : memref<128x128xf32, #tpu.memory_space<vmem>>) target(%dma_start3A_181 : memref<128x128xf32, #tpu.memory_space<vmem_shared>>) target_semaphore(%run_scoped3A_173 : memref<!tpu.dma_semaphore, #tpu.memory_space<semaphore_mem>>)
      %dma_wait3A_186 = arith.constant 0 : i32
      %dma_wait3A_187 = arith.constant 0 : i32
      %dma_wait3A_188 = tpu.memref_slice %arg8[%run_scoped3A_16, %dma_wait3A_186, %dma_wait3A_187] : memref<2x128x128xf32, #tpu.memory_space<vmem>> -> memref<1x128x128xf32, #tpu.memory_space<vmem>>
      %dma_wait3A_189 = tpu.memref_squeeze %dma_wait3A_188 : memref<1x128x128xf32, #tpu.memory_space<vmem>> -> memref<128x128xf32, #tpu.memory_space<vmem>>
      %dma_wait3A_190 = arith.constant 0 : i32
      %dma_wait3A_191 = tpu.memref_slice %arg9[%add3A_15, %dma_wait3A_190] : memref<10112x128xf32, #tpu.memory_space<vmem_shared>> -> memref<128x128xf32, #tpu.memory_space<vmem_shared>>
      %dma_wait3A_192 = arith.constant 0 : i32
      %dma_wait3A_193 = tpu.memref_slice %arg9[%add3A_15, %dma_wait3A_192] : memref<10112x128xf32, #tpu.memory_space<vmem_shared>> -> memref<128x128xf32, #tpu.memory_space<vmem_shared>>
      %dma_wait3A_194 = arith.constant 0 : i32
      %dma_wait3A_195 = arith.constant 0 : i32
      %dma_wait3A_196 = tpu.memref_slice %arg8[%run_scoped3A_16, %dma_wait3A_194, %dma_wait3A_195] : memref<2x128x128xf32, #tpu.memory_space<vmem>> -> memref<1x128x128xf32, #tpu.memory_space<vmem>>
      %dma_wait3A_197 = tpu.memref_squeeze %dma_wait3A_196 : memref<1x128x128xf32, #tpu.memory_space<vmem>> -> memref<128x128xf32, #tpu.memory_space<vmem>>
      tpu.wait_dma2 semaphore(%run_scoped3A_173 : memref<!tpu.dma_semaphore, #tpu.memory_space<semaphore_mem>>) src(%dma_wait3A_197 : memref<128x128xf32, #tpu.memory_space<vmem>>) dst(%dma_wait3A_193 : memref<128x128xf32, #tpu.memory_space<vmem_shared>>)
      tpu.yield
    }) : () -> ()
    %mul3A_17 = arith.constant 632 : i32
    %mul3A_18 = arith.muli %arg1, %mul3A_17 : i32
    %add3A_19 = arith.constant 256 : i32
    %add3A_20 = arith.addi %mul3A_18, %add3A_19 : i32
    %run_scoped3A_21 = arith.constant 0 : i32
    "tpu.region"() ({
      %run_scoped3A_173 = tpu.sem_alloc : memref<!tpu.dma_semaphore, #tpu.memory_space<semaphore_mem>>
      %dma_start3A_174 = arith.constant 0 : i32
      %dma_start3A_175 = arith.constant 0 : i32
      %dma_start3A_176 = tpu.memref_slice %arg8[%run_scoped3A_21, %dma_start3A_174, %dma_start3A_175] : memref<2x128x128xf32, #tpu.memory_space<vmem>> -> memref<1x128x128xf32, #tpu.memory_space<vmem>>
      %dma_start3A_177 = tpu.memref_squeeze %dma_start3A_176 : memref<1x128x128xf32, #tpu.memory_space<vmem>> -> memref<128x128xf32, #tpu.memory_space<vmem>>
      %dma_start3A_178 = arith.constant 0 : i32
      %dma_start3A_179 = tpu.memref_slice %arg9[%add3A_20, %dma_start3A_178] : memref<10112x128xf32, #tpu.memory_space<vmem_shared>> -> memref<128x128xf32, #tpu.memory_space<vmem_shared>>
      %dma_start3A_180 = arith.constant 0 : i32
      %dma_start3A_181 = tpu.memref_slice %arg9[%add3A_20, %dma_start3A_180] : memref<10112x128xf32, #tpu.memory_space<vmem_shared>> -> memref<128x128xf32, #tpu.memory_space<vmem_shared>>
      %dma_start3A_182 = arith.constant 0 : i32
      %dma_start3A_183 = arith.constant 0 : i32
      %dma_start3A_184 = tpu.memref_slice %arg8[%run_scoped3A_21, %dma_start3A_182, %dma_start3A_183] : memref<2x128x128xf32, #tpu.memory_space<vmem>> -> memref<1x128x128xf32, #tpu.memory_space<vmem>>
      %dma_start3A_185 = tpu.memref_squeeze %dma_start3A_184 : memref<1x128x128xf32, #tpu.memory_space<vmem>> -> memref<128x128xf32, #tpu.memory_space<vmem>>
      tpu.enqueue_dma source(%dma_start3A_185 : memref<128x128xf32, #tpu.memory_space<vmem>>) target(%dma_start3A_181 : memref<128x128xf32, #tpu.memory_space<vmem_shared>>) target_semaphore(%run_scoped3A_173 : memref<!tpu.dma_semaphore, #tpu.memory_space<semaphore_mem>>)
      %dma_wait3A_186 = arith.constant 0 : i32
      %dma_wait3A_187 = arith.constant 0 : i32
      %dma_wait3A_188 = tpu.memref_slice %arg8[%run_scoped3A_21, %dma_wait3A_186, %dma_wait3A_187] : memref<2x128x128xf32, #tpu.memory_space<vmem>> -> memref<1x128x128xf32, #tpu.memory_space<vmem>>
      %dma_wait3A_189 = tpu.memref_squeeze %dma_wait3A_188 : memref<1x128x128xf32, #tpu.memory_space<vmem>> -> memref<128x128xf32, #tpu.memory_space<vmem>>
      %dma_wait3A_190 = arith.constant 0 : i32
      %dma_wait3A_191 = tpu.memref_slice %arg9[%add3A_20, %dma_wait3A_190] : memref<10112x128xf32, #tpu.memory_space<vmem_shared>> -> memref<128x128xf32, #tpu.memory_space<vmem_shared>>
      %dma_wait3A_192 = arith.constant 0 : i32
      %dma_wait3A_193 = tpu.memref_slice %arg9[%add3A_20, %dma_wait3A_192] : memref<10112x128xf32, #tpu.memory_space<vmem_shared>> -> memref<128x128xf32, #tpu.memory_space<vmem_shared>>
      %dma_wait3A_194 = arith.constant 0 : i32
      %dma_wait3A_195 = arith.constant 0 : i32
      %dma_wait3A_196 = tpu.memref_slice %arg8[%run_scoped3A_21, %dma_wait3A_194, %dma_wait3A_195] : memref<2x128x128xf32, #tpu.memory_space<vmem>> -> memref<1x128x128xf32, #tpu.memory_space<vmem>>
      %dma_wait3A_197 = tpu.memref_squeeze %dma_wait3A_196 : memref<1x128x128xf32, #tpu.memory_space<vmem>> -> memref<128x128xf32, #tpu.memory_space<vmem>>
      tpu.wait_dma2 semaphore(%run_scoped3A_173 : memref<!tpu.dma_semaphore, #tpu.memory_space<semaphore_mem>>) src(%dma_wait3A_197 : memref<128x128xf32, #tpu.memory_space<vmem>>) dst(%dma_wait3A_193 : memref<128x128xf32, #tpu.memory_space<vmem_shared>>)
      tpu.yield
    }) : () -> ()
    %mul3A_22 = arith.constant 632 : i32
    %mul3A_23 = arith.muli %arg1, %mul3A_22 : i32
    %add3A_24 = arith.constant 384 : i32
    %add3A_25 = arith.addi %mul3A_23, %add3A_24 : i32
    %run_scoped3A_26 = arith.constant 0 : i32
    "tpu.region"() ({
      %run_scoped3A_173 = tpu.sem_alloc : memref<!tpu.dma_semaphore, #tpu.memory_space<semaphore_mem>>
      %dma_start3A_174 = arith.constant 0 : i32
      %dma_start3A_175 = arith.constant 0 : i32
      %dma_start3A_176 = tpu.memref_slice %arg8[%run_scoped3A_26, %dma_start3A_174, %dma_start3A_175] : memref<2x128x128xf32, #tpu.memory_space<vmem>> -> memref<1x128x128xf32, #tpu.memory_space<vmem>>
      %dma_start3A_177 = tpu.memref_squeeze %dma_start3A_176 : memref<1x128x128xf32, #tpu.memory_space<vmem>> -> memref<128x128xf32, #tpu.memory_space<vmem>>
      %dma_start3A_178 = arith.constant 0 : i32
      %dma_start3A_179 = tpu.memref_slice %arg9[%add3A_25, %dma_start3A_178] : memref<10112x128xf32, #tpu.memory_space<vmem_shared>> -> memref<128x128xf32, #tpu.memory_space<vmem_shared>>
      %dma_start3A_180 = arith.constant 0 : i32
      %dma_start3A_181 = tpu.memref_slice %arg9[%add3A_25, %dma_start3A_180] : memref<10112x128xf32, #tpu.memory_space<vmem_shared>> -> memref<128x128xf32, #tpu.memory_space<vmem_shared>>
      %dma_start3A_182 = arith.constant 0 : i32
      %dma_start3A_183 = arith.constant 0 : i32
      %dma_start3A_184 = tpu.memref_slice %arg8[%run_scoped3A_26, %dma_start3A_182, %dma_start3A_183] : memref<2x128x128xf32, #tpu.memory_space<vmem>> -> memref<1x128x128xf32, #tpu.memory_space<vmem>>
      %dma_start3A_185 = tpu.memref_squeeze %dma_start3A_184 : memref<1x128x128xf32, #tpu.memory_space<vmem>> -> memref<128x128xf32, #tpu.memory_space<vmem>>
      tpu.enqueue_dma source(%dma_start3A_185 : memref<128x128xf32, #tpu.memory_space<vmem>>) target(%dma_start3A_181 : memref<128x128xf32, #tpu.memory_space<vmem_shared>>) target_semaphore(%run_scoped3A_173 : memref<!tpu.dma_semaphore, #tpu.memory_space<semaphore_mem>>)
      %dma_wait3A_186 = arith.constant 0 : i32
      %dma_wait3A_187 = arith.constant 0 : i32
      %dma_wait3A_188 = tpu.memref_slice %arg8[%run_scoped3A_26, %dma_wait3A_186, %dma_wait3A_187] : memref<2x128x128xf32, #tpu.memory_space<vmem>> -> memref<1x128x128xf32, #tpu.memory_space<vmem>>
      %dma_wait3A_189 = tpu.memref_squeeze %dma_wait3A_188 : memref<1x128x128xf32, #tpu.memory_space<vmem>> -> memref<128x128xf32, #tpu.memory_space<vmem>>
      %dma_wait3A_190 = arith.constant 0 : i32
      %dma_wait3A_191 = tpu.memref_slice %arg9[%add3A_25, %dma_wait3A_190] : memref<10112x128xf32, #tpu.memory_space<vmem_shared>> -> memref<128x128xf32, #tpu.memory_space<vmem_shared>>
      %dma_wait3A_192 = arith.constant 0 : i32
      %dma_wait3A_193 = tpu.memref_slice %arg9[%add3A_25, %dma_wait3A_192] : memref<10112x128xf32, #tpu.memory_space<vmem_shared>> -> memref<128x128xf32, #tpu.memory_space<vmem_shared>>
      %dma_wait3A_194 = arith.constant 0 : i32
      %dma_wait3A_195 = arith.constant 0 : i32
      %dma_wait3A_196 = tpu.memref_slice %arg8[%run_scoped3A_26, %dma_wait3A_194, %dma_wait3A_195] : memref<2x128x128xf32, #tpu.memory_space<vmem>> -> memref<1x128x128xf32, #tpu.memory_space<vmem>>
      %dma_wait3A_197 = tpu.memref_squeeze %dma_wait3A_196 : memref<1x128x128xf32, #tpu.memory_space<vmem>> -> memref<128x128xf32, #tpu.memory_space<vmem>>
      tpu.wait_dma2 semaphore(%run_scoped3A_173 : memref<!tpu.dma_semaphore, #tpu.memory_space<semaphore_mem>>) src(%dma_wait3A_197 : memref<128x128xf32, #tpu.memory_space<vmem>>) dst(%dma_wait3A_193 : memref<128x128xf32, #tpu.memory_space<vmem_shared>>)
      tpu.yield
    }) : () -> ()
    %mul3A_27 = arith.constant 632 : i32
    %mul3A_28 = arith.muli %arg1, %mul3A_27 : i32
    %add3A_29 = arith.constant 512 : i32
    %add3A_30 = arith.addi %mul3A_28, %add3A_29 : i32
    %run_scoped3A_31 = arith.constant 1 : i32
    "tpu.region"() ({
      %run_scoped3A_173 = tpu.sem_alloc : memref<!tpu.dma_semaphore, #tpu.memory_space<semaphore_mem>>
      %dma_start3A_174 = arith.constant 0 : i32
      %dma_start3A_175 = arith.constant 0 : i32
      %dma_start3A_176 = tpu.memref_slice %arg8[%run_scoped3A_31, %dma_start3A_174, %dma_start3A_175] : memref<2x128x128xf32, #tpu.memory_space<vmem>> -> memref<1x128x128xf32, #tpu.memory_space<vmem>>
      %dma_start3A_177 = tpu.memref_squeeze %dma_start3A_176 : memref<1x128x128xf32, #tpu.memory_space<vmem>> -> memref<128x128xf32, #tpu.memory_space<vmem>>
      %dma_start3A_178 = arith.constant 0 : i32
      %dma_start3A_179 = arith.constant 0 : i32
      %dma_start3A_180 = tpu.memref_slice %dma_start3A_177[%dma_start3A_178, %dma_start3A_179] : memref<128x128xf32, #tpu.memory_space<vmem>> -> memref<120x128xf32, #tpu.memory_space<vmem>>
      %dma_start3A_181 = arith.constant 0 : i32
      %dma_start3A_182 = tpu.memref_slice %arg9[%add3A_30, %dma_start3A_181] : memref<10112x128xf32, #tpu.memory_space<vmem_shared>> -> memref<120x128xf32, #tpu.memory_space<vmem_shared>>
      %dma_start3A_183 = arith.constant 0 : i32
      %dma_start3A_184 = tpu.memref_slice %arg9[%add3A_30, %dma_start3A_183] : memref<10112x128xf32, #tpu.memory_space<vmem_shared>> -> memref<120x128xf32, #tpu.memory_space<vmem_shared>>
      %dma_start3A_185 = arith.constant 0 : i32
      %dma_start3A_186 = arith.constant 0 : i32
      %dma_start3A_187 = tpu.memref_slice %arg8[%run_scoped3A_31, %dma_start3A_185, %dma_start3A_186] : memref<2x128x128xf32, #tpu.memory_space<vmem>> -> memref<1x128x128xf32, #tpu.memory_space<vmem>>
      %dma_start3A_188 = tpu.memref_squeeze %dma_start3A_187 : memref<1x128x128xf32, #tpu.memory_space<vmem>> -> memref<128x128xf32, #tpu.memory_space<vmem>>
      %dma_start3A_189 = arith.constant 0 : i32
      %dma_start3A_190 = arith.constant 0 : i32
      %dma_start3A_191 = tpu.memref_slice %dma_start3A_188[%dma_start3A_189, %dma_start3A_190] : memref<128x128xf32, #tpu.memory_space<vmem>> -> memref<120x128xf32, #tpu.memory_space<vmem>>
      tpu.enqueue_dma source(%dma_start3A_191 : memref<120x128xf32, #tpu.memory_space<vmem>>) target(%dma_start3A_184 : memref<120x128xf32, #tpu.memory_space<vmem_shared>>) target_semaphore(%run_scoped3A_173 : memref<!tpu.dma_semaphore, #tpu.memory_space<semaphore_mem>>)
      %dma_wait3A_192 = arith.constant 0 : i32
      %dma_wait3A_193 = arith.constant 0 : i32
      %dma_wait3A_194 = tpu.memref_slice %arg8[%run_scoped3A_31, %dma_wait3A_192, %dma_wait3A_193] : memref<2x128x128xf32, #tpu.memory_space<vmem>> -> memref<1x128x128xf32, #tpu.memory_space<vmem>>
      %dma_wait3A_195 = tpu.memref_squeeze %dma_wait3A_194 : memref<1x128x128xf32, #tpu.memory_space<vmem>> -> memref<128x128xf32, #tpu.memory_space<vmem>>
      %dma_wait3A_196 = arith.constant 0 : i32
      %dma_wait3A_197 = arith.constant 0 : i32
      %dma_wait3A_198 = tpu.memref_slice %dma_wait3A_195[%dma_wait3A_196, %dma_wait3A_197] : memref<128x128xf32, #tpu.memory_space<vmem>> -> memref<120x128xf32, #tpu.memory_space<vmem>>
      %dma_wait3A_199 = arith.constant 0 : i32
      %dma_wait3A_200 = tpu.memref_slice %arg9[%add3A_30, %dma_wait3A_199] : memref<10112x128xf32, #tpu.memory_space<vmem_shared>> -> memref<120x128xf32, #tpu.memory_space<vmem_shared>>
      %dma_wait3A_201 = arith.constant 0 : i32
      %dma_wait3A_202 = tpu.memref_slice %arg9[%add3A_30, %dma_wait3A_201] : memref<10112x128xf32, #tpu.memory_space<vmem_shared>> -> memref<120x128xf32, #tpu.memory_space<vmem_shared>>
      %dma_wait3A_203 = arith.constant 0 : i32
      %dma_wait3A_204 = arith.constant 0 : i32
      %dma_wait3A_205 = tpu.memref_slice %arg8[%run_scoped3A_31, %dma_wait3A_203, %dma_wait3A_204] : memref<2x128x128xf32, #tpu.memory_space<vmem>> -> memref<1x128x128xf32, #tpu.memory_space<vmem>>
      %dma_wait3A_206 = tpu.memref_squeeze %dma_wait3A_205 : memref<1x128x128xf32, #tpu.memory_space<vmem>> -> memref<128x128xf32, #tpu.memory_space<vmem>>
      %dma_wait3A_207 = arith.constant 0 : i32
      %dma_wait3A_208 = arith.constant 0 : i32
      %dma_wait3A_209 = tpu.memref_slice %dma_wait3A_206[%dma_wait3A_207, %dma_wait3A_208] : memref<128x128xf32, #tpu.memory_space<vmem>> -> memref<120x128xf32, #tpu.memory_space<vmem>>
      tpu.wait_dma2 semaphore(%run_scoped3A_173 : memref<!tpu.dma_semaphore, #tpu.memory_space<semaphore_mem>>) src(%dma_wait3A_209 : memref<120x128xf32, #tpu.memory_space<vmem>>) dst(%dma_wait3A_202 : memref<120x128xf32, #tpu.memory_space<vmem_shared>>)
      tpu.yield
    }) : () -> ()
    %barrier3A = arith.constant 0 : index
    tpu.barrier barrier_id(%barrier3A)
    "tpu.region"() ({
      %run_scoped3A_173 = tpu.sem_alloc : memref<!tpu.dma_semaphore, #tpu.memory_space<semaphore_mem>>
      %dma_start3A_174 = arith.constant 0 : i32
      %dma_start3A_175 = arith.constant 0 : i32
      %dma_start3A_176 = tpu.memref_slice %arg3[%add3A, %dma_start3A_174, %dma_start3A_175] : memref<32x80x128xi32, #tpu.memory_space<hbm>> -> memref<1x40x128xi32, #tpu.memory_space<hbm>>
      %dma_start3A_177 = tpu.memref_squeeze %dma_start3A_176 : memref<1x40x128xi32, #tpu.memory_space<hbm>> -> memref<40x128xi32, #tpu.memory_space<hbm>>
      %dma_start3A_178 = arith.constant 0 : i32
      %dma_start3A_179 = arith.constant 0 : i32
      %dma_start3A_180 = tpu.memref_slice %arg3[%add3A, %dma_start3A_178, %dma_start3A_179] : memref<32x80x128xi32, #tpu.memory_space<hbm>> -> memref<1x40x128xi32, #tpu.memory_space<hbm>>
      %dma_start3A_181 = tpu.memref_squeeze %dma_start3A_180 : memref<1x40x128xi32, #tpu.memory_space<hbm>> -> memref<40x128xi32, #tpu.memory_space<hbm>>
      tpu.enqueue_dma source(%dma_start3A_181 : memref<40x128xi32, #tpu.memory_space<hbm>>) target(%arg6 : memref<40x128xi32, #tpu.memory_space<vmem>>) target_semaphore(%run_scoped3A_173 : memref<!tpu.dma_semaphore, #tpu.memory_space<semaphore_mem>>)
      %dma_wait3A_182 = arith.constant 0 : i32
      %dma_wait3A_183 = arith.constant 0 : i32
      %dma_wait3A_184 = tpu.memref_slice %arg3[%add3A, %dma_wait3A_182, %dma_wait3A_183] : memref<32x80x128xi32, #tpu.memory_space<hbm>> -> memref<1x40x128xi32, #tpu.memory_space<hbm>>
      %dma_wait3A_185 = tpu.memref_squeeze %dma_wait3A_184 : memref<1x40x128xi32, #tpu.memory_space<hbm>> -> memref<40x128xi32, #tpu.memory_space<hbm>>
      %dma_wait3A_186 = arith.constant 0 : i32
      %dma_wait3A_187 = arith.constant 0 : i32
      %dma_wait3A_188 = tpu.memref_slice %arg3[%add3A, %dma_wait3A_186, %dma_wait3A_187] : memref<32x80x128xi32, #tpu.memory_space<hbm>> -> memref<1x40x128xi32, #tpu.memory_space<hbm>>
      %dma_wait3A_189 = tpu.memref_squeeze %dma_wait3A_188 : memref<1x40x128xi32, #tpu.memory_space<hbm>> -> memref<40x128xi32, #tpu.memory_space<hbm>>
      tpu.wait_dma2 semaphore(%run_scoped3A_173 : memref<!tpu.dma_semaphore, #tpu.memory_space<semaphore_mem>>) src(%dma_wait3A_189 : memref<40x128xi32, #tpu.memory_space<hbm>>) dst(%arg6 : memref<40x128xi32, #tpu.memory_space<vmem>>)
      tpu.yield
    }) : () -> ()
    "tpu.region"() ({
      %run_scoped3A_173 = tpu.sem_alloc : memref<!tpu.dma_semaphore, #tpu.memory_space<semaphore_mem>>
      %dma_start3A_174 = arith.constant 0 : i32
      %dma_start3A_175 = arith.constant 0 : i32
      %dma_start3A_176 = tpu.memref_slice %arg4[%add3A, %dma_start3A_174, %dma_start3A_175] : memref<32x80x128xi32, #tpu.memory_space<hbm>> -> memref<1x40x128xi32, #tpu.memory_space<hbm>>
      %dma_start3A_177 = tpu.memref_squeeze %dma_start3A_176 : memref<1x40x128xi32, #tpu.memory_space<hbm>> -> memref<40x128xi32, #tpu.memory_space<hbm>>
      %dma_start3A_178 = arith.constant 0 : i32
      %dma_start3A_179 = arith.constant 0 : i32
      %dma_start3A_180 = tpu.memref_slice %arg4[%add3A, %dma_start3A_178, %dma_start3A_179] : memref<32x80x128xi32, #tpu.memory_space<hbm>> -> memref<1x40x128xi32, #tpu.memory_space<hbm>>
      %dma_start3A_181 = tpu.memref_squeeze %dma_start3A_180 : memref<1x40x128xi32, #tpu.memory_space<hbm>> -> memref<40x128xi32, #tpu.memory_space<hbm>>
      tpu.enqueue_dma source(%dma_start3A_181 : memref<40x128xi32, #tpu.memory_space<hbm>>) target(%arg7 : memref<40x128xi32, #tpu.memory_space<vmem>>) target_semaphore(%run_scoped3A_173 : memref<!tpu.dma_semaphore, #tpu.memory_space<semaphore_mem>>)
      %dma_wait3A_182 = arith.constant 0 : i32
      %dma_wait3A_183 = arith.constant 0 : i32
      %dma_wait3A_184 = tpu.memref_slice %arg4[%add3A, %dma_wait3A_182, %dma_wait3A_183] : memref<32x80x128xi32, #tpu.memory_space<hbm>> -> memref<1x40x128xi32, #tpu.memory_space<hbm>>
      %dma_wait3A_185 = tpu.memref_squeeze %dma_wait3A_184 : memref<1x40x128xi32, #tpu.memory_space<hbm>> -> memref<40x128xi32, #tpu.memory_space<hbm>>
      %dma_wait3A_186 = arith.constant 0 : i32
      %dma_wait3A_187 = arith.constant 0 : i32
      %dma_wait3A_188 = tpu.memref_slice %arg4[%add3A, %dma_wait3A_186, %dma_wait3A_187] : memref<32x80x128xi32, #tpu.memory_space<hbm>> -> memref<1x40x128xi32, #tpu.memory_space<hbm>>
      %dma_wait3A_189 = tpu.memref_squeeze %dma_wait3A_188 : memref<1x40x128xi32, #tpu.memory_space<hbm>> -> memref<40x128xi32, #tpu.memory_space<hbm>>
      tpu.wait_dma2 semaphore(%run_scoped3A_173 : memref<!tpu.dma_semaphore, #tpu.memory_space<semaphore_mem>>) src(%dma_wait3A_189 : memref<40x128xi32, #tpu.memory_space<hbm>>) dst(%arg7 : memref<40x128xi32, #tpu.memory_space<vmem>>)
      tpu.yield
    }) : () -> ()
    %dma_start3A = arith.constant 0 : i32
    %dma_start3A_32 = arith.constant 0 : i32
    %dma_start3A_33 = arith.constant 0 : i32
    %dma_start3A_34 = arith.constant 0 : i32
    %dma_start3A_35 = arith.constant 0 : i32
    %dma_start3A_36 = tpu.memref_slice %arg8[%dma_start3A_32, %dma_start3A_34, %dma_start3A_35] : memref<2x128x128xf32, #tpu.memory_space<vmem>> -> memref<1x128x128xf32, #tpu.memory_space<vmem>>
    %dma_start3A_37 = tpu.memref_squeeze %dma_start3A_36 : memref<1x128x128xf32, #tpu.memory_space<vmem>> -> memref<128x128xf32, #tpu.memory_space<vmem>>
    %dma_start3A_38 = arith.constant 0 : i32
    %dma_start3A_39 = tpu.memref_slice %arg6[%dma_start3A, %dma_start3A_38] : memref<40x128xi32, #tpu.memory_space<vmem>> -> memref<1x128xi32, #tpu.memory_space<vmem>>
    %dma_start3A_40 = tpu.memref_squeeze %dma_start3A_39 : memref<1x128xi32, #tpu.memory_space<vmem>> -> memref<128xi32, #tpu.memory_space<vmem>>
    %dma_start3A_41 = arith.constant 0 : i32
    %dma_start3A_42 = arith.constant 0 : i32
    %dma_start3A_43 = tpu.memref_slice %arg2[%dma_start3A_41, %dma_start3A_42] : memref<10000x128xf32, #tpu.memory_space<hbm>> -> memref<10000x128xf32, #tpu.memory_space<hbm>>
    %dma_start3A_44 = tpu.memref_slice %arg10[%dma_start3A_33] : memref<2x!tpu.dma_semaphore, #tpu.memory_space<semaphore_mem>> -> memref<1x!tpu.dma_semaphore, #tpu.memory_space<semaphore_mem>>
    %dma_start3A_45 = tpu.memref_squeeze %dma_start3A_44 : memref<1x!tpu.dma_semaphore, #tpu.memory_space<semaphore_mem>> -> memref<!tpu.dma_semaphore, #tpu.memory_space<semaphore_mem>>
    tpu.enqueue_indirect_dma source(%dma_start3A_43 : memref<10000x128xf32, #tpu.memory_space<hbm>>) target(%dma_start3A_37 : memref<128x128xf32, #tpu.memory_space<vmem>>) offsets(%dma_start3A_40 : memref<128xi32, #tpu.memory_space<vmem>>) semaphore(%dma_start3A_45 : memref<!tpu.dma_semaphore, #tpu.memory_space<semaphore_mem>>)
    %dma_start3A_46 = arith.constant 1 : i32
    %dma_start3A_47 = arith.constant 1 : i32
    %dma_start3A_48 = arith.constant 1 : i32
    %dma_start3A_49 = arith.constant 0 : i32
    %dma_start3A_50 = arith.constant 0 : i32
    %dma_start3A_51 = tpu.memref_slice %arg8[%dma_start3A_47, %dma_start3A_49, %dma_start3A_50] : memref<2x128x128xf32, #tpu.memory_space<vmem>> -> memref<1x128x128xf32, #tpu.memory_space<vmem>>
    %dma_start3A_52 = tpu.memref_squeeze %dma_start3A_51 : memref<1x128x128xf32, #tpu.memory_space<vmem>> -> memref<128x128xf32, #tpu.memory_space<vmem>>
    %dma_start3A_53 = arith.constant 0 : i32
    %dma_start3A_54 = tpu.memref_slice %arg6[%dma_start3A_46, %dma_start3A_53] : memref<40x128xi32, #tpu.memory_space<vmem>> -> memref<1x128xi32, #tpu.memory_space<vmem>>
    %dma_start3A_55 = tpu.memref_squeeze %dma_start3A_54 : memref<1x128xi32, #tpu.memory_space<vmem>> -> memref<128xi32, #tpu.memory_space<vmem>>
    %dma_start3A_56 = arith.constant 0 : i32
    %dma_start3A_57 = arith.constant 0 : i32
    %dma_start3A_58 = tpu.memref_slice %arg2[%dma_start3A_56, %dma_start3A_57] : memref<10000x128xf32, #tpu.memory_space<hbm>> -> memref<10000x128xf32, #tpu.memory_space<hbm>>
    %dma_start3A_59 = tpu.memref_slice %arg10[%dma_start3A_48] : memref<2x!tpu.dma_semaphore, #tpu.memory_space<semaphore_mem>> -> memref<1x!tpu.dma_semaphore, #tpu.memory_space<semaphore_mem>>
    %dma_start3A_60 = tpu.memref_squeeze %dma_start3A_59 : memref<1x!tpu.dma_semaphore, #tpu.memory_space<semaphore_mem>> -> memref<!tpu.dma_semaphore, #tpu.memory_space<semaphore_mem>>
    tpu.enqueue_indirect_dma source(%dma_start3A_58 : memref<10000x128xf32, #tpu.memory_space<hbm>>) target(%dma_start3A_52 : memref<128x128xf32, #tpu.memory_space<vmem>>) offsets(%dma_start3A_55 : memref<128xi32, #tpu.memory_space<vmem>>) semaphore(%dma_start3A_60 : memref<!tpu.dma_semaphore, #tpu.memory_space<semaphore_mem>>)
    %scan3A_61 = arith.constant 0 : i32
    %scan3A_62 = arith.constant 1 : i32
    %scan3A_63 = arith.constant 0 : i32
    %scan3A_64 = arith.constant 0 : i32
    %scan3A_65 = arith.constant 20 : i32
    %scan3A_66 = arith.addi %scan3A_64, %scan3A_65 : i32
    %scan3A_67 = arith.constant 1 : i32
    %scan3A_68 = scf.for %scan3A_173 = %scan3A_64 to %scan3A_66 step %scan3A_67 iter_args(%scan3A_174 = %scan3A_63) -> (i32)  : i32 {
      %mul3A_175 = arith.constant 2 : i32
      %mul3A_176 = arith.muli %scan3A_173, %mul3A_175 : i32
      %add3A_177 = arith.constant 0 : i32
      %add3A_178 = arith.addi %mul3A_176, %add3A_177 : i32
      %dma_wait3A_179 = arith.constant 0 : i32
      %dma_wait3A_180 = arith.constant 0 : i32
      %dma_wait3A_181 = arith.constant 0 : i32
      %dma_wait3A_182 = tpu.memref_slice %arg8[%scan3A_61, %dma_wait3A_180, %dma_wait3A_181] : memref<2x128x128xf32, #tpu.memory_space<vmem>> -> memref<1x128x128xf32, #tpu.memory_space<vmem>>
      %dma_wait3A_183 = tpu.memref_squeeze %dma_wait3A_182 : memref<1x128x128xf32, #tpu.memory_space<vmem>> -> memref<128x128xf32, #tpu.memory_space<vmem>>
      %dma_wait3A_184 = arith.constant 0 : i32
      %dma_wait3A_185 = tpu.memref_slice %arg6[%add3A_178, %dma_wait3A_184] : memref<40x128xi32, #tpu.memory_space<vmem>> -> memref<1x128xi32, #tpu.memory_space<vmem>>
      %dma_wait3A_186 = tpu.memref_squeeze %dma_wait3A_185 : memref<1x128xi32, #tpu.memory_space<vmem>> -> memref<128xi32, #tpu.memory_space<vmem>>
      %dma_wait3A_187 = arith.constant 0 : i32
      %dma_wait3A_188 = arith.constant 0 : i32
      %dma_wait3A_189 = tpu.memref_slice %arg2[%dma_wait3A_187, %dma_wait3A_188] : memref<10000x128xf32, #tpu.memory_space<hbm>> -> memref<10000x128xf32, #tpu.memory_space<hbm>>
      %dma_wait3A_190 = tpu.memref_slice %arg10[%dma_wait3A_179] : memref<2x!tpu.dma_semaphore, #tpu.memory_space<semaphore_mem>> -> memref<1x!tpu.dma_semaphore, #tpu.memory_space<semaphore_mem>>
      %dma_wait3A_191 = tpu.memref_squeeze %dma_wait3A_190 : memref<1x!tpu.dma_semaphore, #tpu.memory_space<semaphore_mem>> -> memref<!tpu.dma_semaphore, #tpu.memory_space<semaphore_mem>>
      tpu.wait_indirect_dma semaphore(%dma_wait3A_191 : memref<!tpu.dma_semaphore, #tpu.memory_space<semaphore_mem>>) src(%dma_wait3A_189 : memref<10000x128xf32, #tpu.memory_space<hbm>>) dst(%dma_wait3A_183 : memref<128x128xf32, #tpu.memory_space<vmem>>)
      %dma_start3A_192 = arith.constant 0 : i32
      %dma_start3A_193 = arith.constant 0 : i32
      %dma_start3A_194 = arith.constant 0 : i32
      %dma_start3A_195 = tpu.memref_slice %arg8[%scan3A_61, %dma_start3A_193, %dma_start3A_194] : memref<2x128x128xf32, #tpu.memory_space<vmem>> -> memref<1x128x128xf32, #tpu.memory_space<vmem>>
      %dma_start3A_196 = tpu.memref_squeeze %dma_start3A_195 : memref<1x128x128xf32, #tpu.memory_space<vmem>> -> memref<128x128xf32, #tpu.memory_space<vmem>>
      %dma_start3A_197 = arith.constant 0 : i32
      %dma_start3A_198 = tpu.memref_slice %arg7[%add3A_178, %dma_start3A_197] : memref<40x128xi32, #tpu.memory_space<vmem>> -> memref<1x128xi32, #tpu.memory_space<vmem>>
      %dma_start3A_199 = tpu.memref_squeeze %dma_start3A_198 : memref<1x128xi32, #tpu.memory_space<vmem>> -> memref<128xi32, #tpu.memory_space<vmem>>
      %dma_start3A_200 = arith.constant 0 : i32
      %dma_start3A_201 = arith.constant 0 : i32
      %dma_start3A_202 = tpu.memref_slice %arg9[%dma_start3A_200, %dma_start3A_201] : memref<10112x128xf32, #tpu.memory_space<vmem_shared>> -> memref<10112x128xf32, #tpu.memory_space<vmem_shared>>
      %dma_start3A_203 = tpu.memref_slice %arg11[%dma_start3A_192] : memref<2x!tpu.dma_semaphore, #tpu.memory_space<semaphore_mem>> -> memref<1x!tpu.dma_semaphore, #tpu.memory_space<semaphore_mem>>
      %dma_start3A_204 = tpu.memref_squeeze %dma_start3A_203 : memref<1x!tpu.dma_semaphore, #tpu.memory_space<semaphore_mem>> -> memref<!tpu.dma_semaphore, #tpu.memory_space<semaphore_mem>>
      tpu.enqueue_indirect_dma source(%dma_start3A_196 : memref<128x128xf32, #tpu.memory_space<vmem>>) target(%dma_start3A_202 : memref<10112x128xf32, #tpu.memory_space<vmem_shared>>) offsets(%dma_start3A_199 : memref<128xi32, #tpu.memory_space<vmem>>) semaphore(%dma_start3A_204 : memref<!tpu.dma_semaphore, #tpu.memory_space<semaphore_mem>>) {add = true}
      %add3A_205 = arith.constant 2 : i32
      %add3A_206 = arith.addi %add3A_178, %add3A_205 : i32
      %lt3A = arith.constant 40 : i32
      %lt3A_207 = arith.cmpi slt, %add3A_206, %lt3A : i32
      %convert_element_type3A = arith.extui %lt3A_207 : i1 to i32
      %cond3A = arith.constant 0 : i32
      %cond3A_208 = arith.cmpi ne, %convert_element_type3A, %cond3A : i32
      scf.if %cond3A_208 {
        %dma_wait3A_247 = arith.constant 0 : i32
        %dma_wait3A_248 = arith.constant 0 : i32
        %dma_wait3A_249 = arith.constant 0 : i32
        %dma_wait3A_250 = tpu.memref_slice %arg8[%scan3A_61, %dma_wait3A_248, %dma_wait3A_249] : memref<2x128x128xf32, #tpu.memory_space<vmem>> -> memref<1x128x128xf32, #tpu.memory_space<vmem>>
        %dma_wait3A_251 = tpu.memref_squeeze %dma_wait3A_250 : memref<1x128x128xf32, #tpu.memory_space<vmem>> -> memref<128x128xf32, #tpu.memory_space<vmem>>
        %dma_wait3A_252 = arith.constant 0 : i32
        %dma_wait3A_253 = tpu.memref_slice %arg7[%add3A_178, %dma_wait3A_252] : memref<40x128xi32, #tpu.memory_space<vmem>> -> memref<1x128xi32, #tpu.memory_space<vmem>>
        %dma_wait3A_254 = tpu.memref_squeeze %dma_wait3A_253 : memref<1x128xi32, #tpu.memory_space<vmem>> -> memref<128xi32, #tpu.memory_space<vmem>>
        %dma_wait3A_255 = arith.constant 0 : i32
        %dma_wait3A_256 = arith.constant 0 : i32
        %dma_wait3A_257 = tpu.memref_slice %arg9[%dma_wait3A_255, %dma_wait3A_256] : memref<10112x128xf32, #tpu.memory_space<vmem_shared>> -> memref<10112x128xf32, #tpu.memory_space<vmem_shared>>
        %dma_wait3A_258 = tpu.memref_slice %arg11[%dma_wait3A_247] : memref<2x!tpu.dma_semaphore, #tpu.memory_space<semaphore_mem>> -> memref<1x!tpu.dma_semaphore, #tpu.memory_space<semaphore_mem>>
        %dma_wait3A_259 = tpu.memref_squeeze %dma_wait3A_258 : memref<1x!tpu.dma_semaphore, #tpu.memory_space<semaphore_mem>> -> memref<!tpu.dma_semaphore, #tpu.memory_space<semaphore_mem>>
        tpu.wait_indirect_dma semaphore(%dma_wait3A_259 : memref<!tpu.dma_semaphore, #tpu.memory_space<semaphore_mem>>) src(%dma_wait3A_251 : memref<128x128xf32, #tpu.memory_space<vmem>>) dst(%dma_wait3A_257 : memref<10112x128xf32, #tpu.memory_space<vmem_shared>>)
        %add3A_260 = arith.constant 2 : i32
        %add3A_261 = arith.addi %add3A_178, %add3A_260 : i32
        %dma_start3A_262 = arith.constant 0 : i32
        %dma_start3A_263 = arith.constant 0 : i32
        %dma_start3A_264 = arith.constant 0 : i32
        %dma_start3A_265 = tpu.memref_slice %arg8[%scan3A_61, %dma_start3A_263, %dma_start3A_264] : memref<2x128x128xf32, #tpu.memory_space<vmem>> -> memref<1x128x128xf32, #tpu.memory_space<vmem>>
        %dma_start3A_266 = tpu.memref_squeeze %dma_start3A_265 : memref<1x128x128xf32, #tpu.memory_space<vmem>> -> memref<128x128xf32, #tpu.memory_space<vmem>>
        %dma_start3A_267 = arith.constant 0 : i32
        %dma_start3A_268 = tpu.memref_slice %arg6[%add3A_261, %dma_start3A_267] : memref<40x128xi32, #tpu.memory_space<vmem>> -> memref<1x128xi32, #tpu.memory_space<vmem>>
        %dma_start3A_269 = tpu.memref_squeeze %dma_start3A_268 : memref<1x128xi32, #tpu.memory_space<vmem>> -> memref<128xi32, #tpu.memory_space<vmem>>
        %dma_start3A_270 = arith.constant 0 : i32
        %dma_start3A_271 = arith.constant 0 : i32
        %dma_start3A_272 = tpu.memref_slice %arg2[%dma_start3A_270, %dma_start3A_271] : memref<10000x128xf32, #tpu.memory_space<hbm>> -> memref<10000x128xf32, #tpu.memory_space<hbm>>
        %dma_start3A_273 = tpu.memref_slice %arg10[%dma_start3A_262] : memref<2x!tpu.dma_semaphore, #tpu.memory_space<semaphore_mem>> -> memref<1x!tpu.dma_semaphore, #tpu.memory_space<semaphore_mem>>
        %dma_start3A_274 = tpu.memref_squeeze %dma_start3A_273 : memref<1x!tpu.dma_semaphore, #tpu.memory_space<semaphore_mem>> -> memref<!tpu.dma_semaphore, #tpu.memory_space<semaphore_mem>>
        tpu.enqueue_indirect_dma source(%dma_start3A_272 : memref<10000x128xf32, #tpu.memory_space<hbm>>) target(%dma_start3A_266 : memref<128x128xf32, #tpu.memory_space<vmem>>) offsets(%dma_start3A_269 : memref<128xi32, #tpu.memory_space<vmem>>) semaphore(%dma_start3A_274 : memref<!tpu.dma_semaphore, #tpu.memory_space<semaphore_mem>>)
      } else {
      }
      %mul3A_209 = arith.constant 2 : i32
      %mul3A_210 = arith.muli %scan3A_173, %mul3A_209 : i32
      %add3A_211 = arith.constant 1 : i32
      %add3A_212 = arith.addi %mul3A_210, %add3A_211 : i32
      %dma_wait3A_213 = arith.constant 1 : i32
      %dma_wait3A_214 = arith.constant 0 : i32
      %dma_wait3A_215 = arith.constant 0 : i32
      %dma_wait3A_216 = tpu.memref_slice %arg8[%scan3A_62, %dma_wait3A_214, %dma_wait3A_215] : memref<2x128x128xf32, #tpu.memory_space<vmem>> -> memref<1x128x128xf32, #tpu.memory_space<vmem>>
      %dma_wait3A_217 = tpu.memref_squeeze %dma_wait3A_216 : memref<1x128x128xf32, #tpu.memory_space<vmem>> -> memref<128x128xf32, #tpu.memory_space<vmem>>
      %dma_wait3A_218 = arith.constant 0 : i32
      %dma_wait3A_219 = tpu.memref_slice %arg6[%add3A_212, %dma_wait3A_218] : memref<40x128xi32, #tpu.memory_space<vmem>> -> memref<1x128xi32, #tpu.memory_space<vmem>>
      %dma_wait3A_220 = tpu.memref_squeeze %dma_wait3A_219 : memref<1x128xi32, #tpu.memory_space<vmem>> -> memref<128xi32, #tpu.memory_space<vmem>>
      %dma_wait3A_221 = arith.constant 0 : i32
      %dma_wait3A_222 = arith.constant 0 : i32
      %dma_wait3A_223 = tpu.memref_slice %arg2[%dma_wait3A_221, %dma_wait3A_222] : memref<10000x128xf32, #tpu.memory_space<hbm>> -> memref<10000x128xf32, #tpu.memory_space<hbm>>
      %dma_wait3A_224 = tpu.memref_slice %arg10[%dma_wait3A_213] : memref<2x!tpu.dma_semaphore, #tpu.memory_space<semaphore_mem>> -> memref<1x!tpu.dma_semaphore, #tpu.memory_space<semaphore_mem>>
      %dma_wait3A_225 = tpu.memref_squeeze %dma_wait3A_224 : memref<1x!tpu.dma_semaphore, #tpu.memory_space<semaphore_mem>> -> memref<!tpu.dma_semaphore, #tpu.memory_space<semaphore_mem>>
      tpu.wait_indirect_dma semaphore(%dma_wait3A_225 : memref<!tpu.dma_semaphore, #tpu.memory_space<semaphore_mem>>) src(%dma_wait3A_223 : memref<10000x128xf32, #tpu.memory_space<hbm>>) dst(%dma_wait3A_217 : memref<128x128xf32, #tpu.memory_space<vmem>>)
      %dma_start3A_226 = arith.constant 1 : i32
      %dma_start3A_227 = arith.constant 0 : i32
      %dma_start3A_228 = arith.constant 0 : i32
      %dma_start3A_229 = tpu.memref_slice %arg8[%scan3A_62, %dma_start3A_227, %dma_start3A_228] : memref<2x128x128xf32, #tpu.memory_space<vmem>> -> memref<1x128x128xf32, #tpu.memory_space<vmem>>
      %dma_start3A_230 = tpu.memref_squeeze %dma_start3A_229 : memref<1x128x128xf32, #tpu.memory_space<vmem>> -> memref<128x128xf32, #tpu.memory_space<vmem>>
      %dma_start3A_231 = arith.constant 0 : i32
      %dma_start3A_232 = tpu.memref_slice %arg7[%add3A_212, %dma_start3A_231] : memref<40x128xi32, #tpu.memory_space<vmem>> -> memref<1x128xi32, #tpu.memory_space<vmem>>
      %dma_start3A_233 = tpu.memref_squeeze %dma_start3A_232 : memref<1x128xi32, #tpu.memory_space<vmem>> -> memref<128xi32, #tpu.memory_space<vmem>>
      %dma_start3A_234 = arith.constant 0 : i32
      %dma_start3A_235 = arith.constant 0 : i32
      %dma_start3A_236 = tpu.memref_slice %arg9[%dma_start3A_234, %dma_start3A_235] : memref<10112x128xf32, #tpu.memory_space<vmem_shared>> -> memref<10112x128xf32, #tpu.memory_space<vmem_shared>>
      %dma_start3A_237 = tpu.memref_slice %arg11[%dma_start3A_226] : memref<2x!tpu.dma_semaphore, #tpu.memory_space<semaphore_mem>> -> memref<1x!tpu.dma_semaphore, #tpu.memory_space<semaphore_mem>>
      %dma_start3A_238 = tpu.memref_squeeze %dma_start3A_237 : memref<1x!tpu.dma_semaphore, #tpu.memory_space<semaphore_mem>> -> memref<!tpu.dma_semaphore, #tpu.memory_space<semaphore_mem>>
      tpu.enqueue_indirect_dma source(%dma_start3A_230 : memref<128x128xf32, #tpu.memory_space<vmem>>) target(%dma_start3A_236 : memref<10112x128xf32, #tpu.memory_space<vmem_shared>>) offsets(%dma_start3A_233 : memref<128xi32, #tpu.memory_space<vmem>>) semaphore(%dma_start3A_238 : memref<!tpu.dma_semaphore, #tpu.memory_space<semaphore_mem>>) {add = true}
      %add3A_239 = arith.constant 2 : i32
      %add3A_240 = arith.addi %add3A_212, %add3A_239 : i32
      %lt3A_241 = arith.constant 40 : i32
      %lt3A_242 = arith.cmpi slt, %add3A_240, %lt3A_241 : i32
      %convert_element_type3A_243 = arith.extui %lt3A_242 : i1 to i32
      %cond3A_244 = arith.constant 0 : i32
      %cond3A_245 = arith.cmpi ne, %convert_element_type3A_243, %cond3A_244 : i32
      scf.if %cond3A_245 {
        %dma_wait3A_247 = arith.constant 1 : i32
        %dma_wait3A_248 = arith.constant 0 : i32
        %dma_wait3A_249 = arith.constant 0 : i32
        %dma_wait3A_250 = tpu.memref_slice %arg8[%scan3A_62, %dma_wait3A_248, %dma_wait3A_249] : memref<2x128x128xf32, #tpu.memory_space<vmem>> -> memref<1x128x128xf32, #tpu.memory_space<vmem>>
        %dma_wait3A_251 = tpu.memref_squeeze %dma_wait3A_250 : memref<1x128x128xf32, #tpu.memory_space<vmem>> -> memref<128x128xf32, #tpu.memory_space<vmem>>
        %dma_wait3A_252 = arith.constant 0 : i32
        %dma_wait3A_253 = tpu.memref_slice %arg7[%add3A_212, %dma_wait3A_252] : memref<40x128xi32, #tpu.memory_space<vmem>> -> memref<1x128xi32, #tpu.memory_space<vmem>>
        %dma_wait3A_254 = tpu.memref_squeeze %dma_wait3A_253 : memref<1x128xi32, #tpu.memory_space<vmem>> -> memref<128xi32, #tpu.memory_space<vmem>>
        %dma_wait3A_255 = arith.constant 0 : i32
        %dma_wait3A_256 = arith.constant 0 : i32
        %dma_wait3A_257 = tpu.memref_slice %arg9[%dma_wait3A_255, %dma_wait3A_256] : memref<10112x128xf32, #tpu.memory_space<vmem_shared>> -> memref<10112x128xf32, #tpu.memory_space<vmem_shared>>
        %dma_wait3A_258 = tpu.memref_slice %arg11[%dma_wait3A_247] : memref<2x!tpu.dma_semaphore, #tpu.memory_space<semaphore_mem>> -> memref<1x!tpu.dma_semaphore, #tpu.memory_space<semaphore_mem>>
        %dma_wait3A_259 = tpu.memref_squeeze %dma_wait3A_258 : memref<1x!tpu.dma_semaphore, #tpu.memory_space<semaphore_mem>> -> memref<!tpu.dma_semaphore, #tpu.memory_space<semaphore_mem>>
        tpu.wait_indirect_dma semaphore(%dma_wait3A_259 : memref<!tpu.dma_semaphore, #tpu.memory_space<semaphore_mem>>) src(%dma_wait3A_251 : memref<128x128xf32, #tpu.memory_space<vmem>>) dst(%dma_wait3A_257 : memref<10112x128xf32, #tpu.memory_space<vmem_shared>>)
        %add3A_260 = arith.constant 2 : i32
        %add3A_261 = arith.addi %add3A_212, %add3A_260 : i32
        %dma_start3A_262 = arith.constant 1 : i32
        %dma_start3A_263 = arith.constant 0 : i32
        %dma_start3A_264 = arith.constant 0 : i32
        %dma_start3A_265 = tpu.memref_slice %arg8[%scan3A_62, %dma_start3A_263, %dma_start3A_264] : memref<2x128x128xf32, #tpu.memory_space<vmem>> -> memref<1x128x128xf32, #tpu.memory_space<vmem>>
        %dma_start3A_266 = tpu.memref_squeeze %dma_start3A_265 : memref<1x128x128xf32, #tpu.memory_space<vmem>> -> memref<128x128xf32, #tpu.memory_space<vmem>>
        %dma_start3A_267 = arith.constant 0 : i32
        %dma_start3A_268 = tpu.memref_slice %arg6[%add3A_261, %dma_start3A_267] : memref<40x128xi32, #tpu.memory_space<vmem>> -> memref<1x128xi32, #tpu.memory_space<vmem>>
        %dma_start3A_269 = tpu.memref_squeeze %dma_start3A_268 : memref<1x128xi32, #tpu.memory_space<vmem>> -> memref<128xi32, #tpu.memory_space<vmem>>
        %dma_start3A_270 = arith.constant 0 : i32
        %dma_start3A_271 = arith.constant 0 : i32
        %dma_start3A_272 = tpu.memref_slice %arg2[%dma_start3A_270, %dma_start3A_271] : memref<10000x128xf32, #tpu.memory_space<hbm>> -> memref<10000x128xf32, #tpu.memory_space<hbm>>
        %dma_start3A_273 = tpu.memref_slice %arg10[%dma_start3A_262] : memref<2x!tpu.dma_semaphore, #tpu.memory_space<semaphore_mem>> -> memref<1x!tpu.dma_semaphore, #tpu.memory_space<semaphore_mem>>
        %dma_start3A_274 = tpu.memref_squeeze %dma_start3A_273 : memref<1x!tpu.dma_semaphore, #tpu.memory_space<semaphore_mem>> -> memref<!tpu.dma_semaphore, #tpu.memory_space<semaphore_mem>>
        tpu.enqueue_indirect_dma source(%dma_start3A_272 : memref<10000x128xf32, #tpu.memory_space<hbm>>) target(%dma_start3A_266 : memref<128x128xf32, #tpu.memory_space<vmem>>) offsets(%dma_start3A_269 : memref<128xi32, #tpu.memory_space<vmem>>) semaphore(%dma_start3A_274 : memref<!tpu.dma_semaphore, #tpu.memory_space<semaphore_mem>>)
      } else {
      }
      %scan3A_246 = arith.constant 0 : i32
      scf.yield %scan3A_246 : i32
    }
    %scan3A_69 = arith.constant 20 : i32
    %dma_wait3A = arith.constant 0 : i32
    %dma_wait3A_70 = arith.constant 0 : i32
    %dma_wait3A_71 = arith.constant 0 : i32
    %dma_wait3A_72 = arith.constant 0 : i32
    %dma_wait3A_73 = arith.constant 0 : i32
    %dma_wait3A_74 = tpu.memref_slice %arg8[%dma_wait3A, %dma_wait3A_72, %dma_wait3A_73] : memref<2x128x128xf32, #tpu.memory_space<vmem>> -> memref<1x128x128xf32, #tpu.memory_space<vmem>>
    %dma_wait3A_75 = tpu.memref_squeeze %dma_wait3A_74 : memref<1x128x128xf32, #tpu.memory_space<vmem>> -> memref<128x128xf32, #tpu.memory_space<vmem>>
    %dma_wait3A_76 = arith.constant 0 : i32
    %dma_wait3A_77 = tpu.memref_slice %arg7[%dma_wait3A_70, %dma_wait3A_76] : memref<40x128xi32, #tpu.memory_space<vmem>> -> memref<1x128xi32, #tpu.memory_space<vmem>>
    %dma_wait3A_78 = tpu.memref_squeeze %dma_wait3A_77 : memref<1x128xi32, #tpu.memory_space<vmem>> -> memref<128xi32, #tpu.memory_space<vmem>>
    %dma_wait3A_79 = arith.constant 0 : i32
    %dma_wait3A_80 = arith.constant 0 : i32
    %dma_wait3A_81 = tpu.memref_slice %arg9[%dma_wait3A_79, %dma_wait3A_80] : memref<10112x128xf32, #tpu.memory_space<vmem_shared>> -> memref<10112x128xf32, #tpu.memory_space<vmem_shared>>
    %dma_wait3A_82 = tpu.memref_slice %arg11[%dma_wait3A_71] : memref<2x!tpu.dma_semaphore, #tpu.memory_space<semaphore_mem>> -> memref<1x!tpu.dma_semaphore, #tpu.memory_space<semaphore_mem>>
    %dma_wait3A_83 = tpu.memref_squeeze %dma_wait3A_82 : memref<1x!tpu.dma_semaphore, #tpu.memory_space<semaphore_mem>> -> memref<!tpu.dma_semaphore, #tpu.memory_space<semaphore_mem>>
    tpu.wait_indirect_dma semaphore(%dma_wait3A_83 : memref<!tpu.dma_semaphore, #tpu.memory_space<semaphore_mem>>) src(%dma_wait3A_75 : memref<128x128xf32, #tpu.memory_space<vmem>>) dst(%dma_wait3A_81 : memref<10112x128xf32, #tpu.memory_space<vmem_shared>>)
    %dma_wait3A_84 = arith.constant 1 : i32
    %dma_wait3A_85 = arith.constant 0 : i32
    %dma_wait3A_86 = arith.constant 1 : i32
    %dma_wait3A_87 = arith.constant 0 : i32
    %dma_wait3A_88 = arith.constant 0 : i32
    %dma_wait3A_89 = tpu.memref_slice %arg8[%dma_wait3A_84, %dma_wait3A_87, %dma_wait3A_88] : memref<2x128x128xf32, #tpu.memory_space<vmem>> -> memref<1x128x128xf32, #tpu.memory_space<vmem>>
    %dma_wait3A_90 = tpu.memref_squeeze %dma_wait3A_89 : memref<1x128x128xf32, #tpu.memory_space<vmem>> -> memref<128x128xf32, #tpu.memory_space<vmem>>
    %dma_wait3A_91 = arith.constant 0 : i32
    %dma_wait3A_92 = tpu.memref_slice %arg7[%dma_wait3A_85, %dma_wait3A_91] : memref<40x128xi32, #tpu.memory_space<vmem>> -> memref<1x128xi32, #tpu.memory_space<vmem>>
    %dma_wait3A_93 = tpu.memref_squeeze %dma_wait3A_92 : memref<1x128xi32, #tpu.memory_space<vmem>> -> memref<128xi32, #tpu.memory_space<vmem>>
    %dma_wait3A_94 = arith.constant 0 : i32
    %dma_wait3A_95 = arith.constant 0 : i32
    %dma_wait3A_96 = tpu.memref_slice %arg9[%dma_wait3A_94, %dma_wait3A_95] : memref<10112x128xf32, #tpu.memory_space<vmem_shared>> -> memref<10112x128xf32, #tpu.memory_space<vmem_shared>>
    %dma_wait3A_97 = tpu.memref_slice %arg11[%dma_wait3A_86] : memref<2x!tpu.dma_semaphore, #tpu.memory_space<semaphore_mem>> -> memref<1x!tpu.dma_semaphore, #tpu.memory_space<semaphore_mem>>
    %dma_wait3A_98 = tpu.memref_squeeze %dma_wait3A_97 : memref<1x!tpu.dma_semaphore, #tpu.memory_space<semaphore_mem>> -> memref<!tpu.dma_semaphore, #tpu.memory_space<semaphore_mem>>
    tpu.wait_indirect_dma semaphore(%dma_wait3A_98 : memref<!tpu.dma_semaphore, #tpu.memory_space<semaphore_mem>>) src(%dma_wait3A_90 : memref<128x128xf32, #tpu.memory_space<vmem>>) dst(%dma_wait3A_96 : memref<10112x128xf32, #tpu.memory_space<vmem_shared>>)
    "tpu.region"() ({
      %run_scoped3A_173 = tpu.sem_alloc : memref<!tpu.dma_semaphore, #tpu.memory_space<semaphore_mem>>
      %dma_start3A_174 = arith.constant 40 : i32
      %dma_start3A_175 = arith.constant 0 : i32
      %dma_start3A_176 = tpu.memref_slice %arg3[%add3A, %dma_start3A_174, %dma_start3A_175] : memref<32x80x128xi32, #tpu.memory_space<hbm>> -> memref<1x40x128xi32, #tpu.memory_space<hbm>>
      %dma_start3A_177 = tpu.memref_squeeze %dma_start3A_176 : memref<1x40x128xi32, #tpu.memory_space<hbm>> -> memref<40x128xi32, #tpu.memory_space<hbm>>
      %dma_start3A_178 = arith.constant 40 : i32
      %dma_start3A_179 = arith.constant 0 : i32
      %dma_start3A_180 = tpu.memref_slice %arg3[%add3A, %dma_start3A_178, %dma_start3A_179] : memref<32x80x128xi32, #tpu.memory_space<hbm>> -> memref<1x40x128xi32, #tpu.memory_space<hbm>>
      %dma_start3A_181 = tpu.memref_squeeze %dma_start3A_180 : memref<1x40x128xi32, #tpu.memory_space<hbm>> -> memref<40x128xi32, #tpu.memory_space<hbm>>
      tpu.enqueue_dma source(%dma_start3A_181 : memref<40x128xi32, #tpu.memory_space<hbm>>) target(%arg6 : memref<40x128xi32, #tpu.memory_space<vmem>>) target_semaphore(%run_scoped3A_173 : memref<!tpu.dma_semaphore, #tpu.memory_space<semaphore_mem>>)
      %dma_wait3A_182 = arith.constant 40 : i32
      %dma_wait3A_183 = arith.constant 0 : i32
      %dma_wait3A_184 = tpu.memref_slice %arg3[%add3A, %dma_wait3A_182, %dma_wait3A_183] : memref<32x80x128xi32, #tpu.memory_space<hbm>> -> memref<1x40x128xi32, #tpu.memory_space<hbm>>
      %dma_wait3A_185 = tpu.memref_squeeze %dma_wait3A_184 : memref<1x40x128xi32, #tpu.memory_space<hbm>> -> memref<40x128xi32, #tpu.memory_space<hbm>>
      %dma_wait3A_186 = arith.constant 40 : i32
      %dma_wait3A_187 = arith.constant 0 : i32
      %dma_wait3A_188 = tpu.memref_slice %arg3[%add3A, %dma_wait3A_186, %dma_wait3A_187] : memref<32x80x128xi32, #tpu.memory_space<hbm>> -> memref<1x40x128xi32, #tpu.memory_space<hbm>>
      %dma_wait3A_189 = tpu.memref_squeeze %dma_wait3A_188 : memref<1x40x128xi32, #tpu.memory_space<hbm>> -> memref<40x128xi32, #tpu.memory_space<hbm>>
      tpu.wait_dma2 semaphore(%run_scoped3A_173 : memref<!tpu.dma_semaphore, #tpu.memory_space<semaphore_mem>>) src(%dma_wait3A_189 : memref<40x128xi32, #tpu.memory_space<hbm>>) dst(%arg6 : memref<40x128xi32, #tpu.memory_space<vmem>>)
      tpu.yield
    }) : () -> ()
    "tpu.region"() ({
      %run_scoped3A_173 = tpu.sem_alloc : memref<!tpu.dma_semaphore, #tpu.memory_space<semaphore_mem>>
      %dma_start3A_174 = arith.constant 40 : i32
      %dma_start3A_175 = arith.constant 0 : i32
      %dma_start3A_176 = tpu.memref_slice %arg4[%add3A, %dma_start3A_174, %dma_start3A_175] : memref<32x80x128xi32, #tpu.memory_space<hbm>> -> memref<1x40x128xi32, #tpu.memory_space<hbm>>
      %dma_start3A_177 = tpu.memref_squeeze %dma_start3A_176 : memref<1x40x128xi32, #tpu.memory_space<hbm>> -> memref<40x128xi32, #tpu.memory_space<hbm>>
      %dma_start3A_178 = arith.constant 40 : i32
      %dma_start3A_179 = arith.constant 0 : i32
      %dma_start3A_180 = tpu.memref_slice %arg4[%add3A, %dma_start3A_178, %dma_start3A_179] : memref<32x80x128xi32, #tpu.memory_space<hbm>> -> memref<1x40x128xi32, #tpu.memory_space<hbm>>
      %dma_start3A_181 = tpu.memref_squeeze %dma_start3A_180 : memref<1x40x128xi32, #tpu.memory_space<hbm>> -> memref<40x128xi32, #tpu.memory_space<hbm>>
      tpu.enqueue_dma source(%dma_start3A_181 : memref<40x128xi32, #tpu.memory_space<hbm>>) target(%arg7 : memref<40x128xi32, #tpu.memory_space<vmem>>) target_semaphore(%run_scoped3A_173 : memref<!tpu.dma_semaphore, #tpu.memory_space<semaphore_mem>>)
      %dma_wait3A_182 = arith.constant 40 : i32
      %dma_wait3A_183 = arith.constant 0 : i32
      %dma_wait3A_184 = tpu.memref_slice %arg4[%add3A, %dma_wait3A_182, %dma_wait3A_183] : memref<32x80x128xi32, #tpu.memory_space<hbm>> -> memref<1x40x128xi32, #tpu.memory_space<hbm>>
      %dma_wait3A_185 = tpu.memref_squeeze %dma_wait3A_184 : memref<1x40x128xi32, #tpu.memory_space<hbm>> -> memref<40x128xi32, #tpu.memory_space<hbm>>
      %dma_wait3A_186 = arith.constant 40 : i32
      %dma_wait3A_187 = arith.constant 0 : i32
      %dma_wait3A_188 = tpu.memref_slice %arg4[%add3A, %dma_wait3A_186, %dma_wait3A_187] : memref<32x80x128xi32, #tpu.memory_space<hbm>> -> memref<1x40x128xi32, #tpu.memory_space<hbm>>
      %dma_wait3A_189 = tpu.memref_squeeze %dma_wait3A_188 : memref<1x40x128xi32, #tpu.memory_space<hbm>> -> memref<40x128xi32, #tpu.memory_space<hbm>>
      tpu.wait_dma2 semaphore(%run_scoped3A_173 : memref<!tpu.dma_semaphore, #tpu.memory_space<semaphore_mem>>) src(%dma_wait3A_189 : memref<40x128xi32, #tpu.memory_space<hbm>>) dst(%arg7 : memref<40x128xi32, #tpu.memory_space<vmem>>)
      tpu.yield
    }) : () -> ()
    %dma_start3A_99 = arith.constant 0 : i32
    %dma_start3A_100 = arith.constant 0 : i32
    %dma_start3A_101 = arith.constant 0 : i32
    %dma_start3A_102 = arith.constant 0 : i32
    %dma_start3A_103 = arith.constant 0 : i32
    %dma_start3A_104 = tpu.memref_slice %arg8[%dma_start3A_100, %dma_start3A_102, %dma_start3A_103] : memref<2x128x128xf32, #tpu.memory_space<vmem>> -> memref<1x128x128xf32, #tpu.memory_space<vmem>>
    %dma_start3A_105 = tpu.memref_squeeze %dma_start3A_104 : memref<1x128x128xf32, #tpu.memory_space<vmem>> -> memref<128x128xf32, #tpu.memory_space<vmem>>
    %dma_start3A_106 = arith.constant 0 : i32
    %dma_start3A_107 = tpu.memref_slice %arg6[%dma_start3A_99, %dma_start3A_106] : memref<40x128xi32, #tpu.memory_space<vmem>> -> memref<1x128xi32, #tpu.memory_space<vmem>>
    %dma_start3A_108 = tpu.memref_squeeze %dma_start3A_107 : memref<1x128xi32, #tpu.memory_space<vmem>> -> memref<128xi32, #tpu.memory_space<vmem>>
    %dma_start3A_109 = arith.constant 0 : i32
    %dma_start3A_110 = arith.constant 0 : i32
    %dma_start3A_111 = tpu.memref_slice %arg2[%dma_start3A_109, %dma_start3A_110] : memref<10000x128xf32, #tpu.memory_space<hbm>> -> memref<10000x128xf32, #tpu.memory_space<hbm>>
    %dma_start3A_112 = tpu.memref_slice %arg10[%dma_start3A_101] : memref<2x!tpu.dma_semaphore, #tpu.memory_space<semaphore_mem>> -> memref<1x!tpu.dma_semaphore, #tpu.memory_space<semaphore_mem>>
    %dma_start3A_113 = tpu.memref_squeeze %dma_start3A_112 : memref<1x!tpu.dma_semaphore, #tpu.memory_space<semaphore_mem>> -> memref<!tpu.dma_semaphore, #tpu.memory_space<semaphore_mem>>
    tpu.enqueue_indirect_dma source(%dma_start3A_111 : memref<10000x128xf32, #tpu.memory_space<hbm>>) target(%dma_start3A_105 : memref<128x128xf32, #tpu.memory_space<vmem>>) offsets(%dma_start3A_108 : memref<128xi32, #tpu.memory_space<vmem>>) semaphore(%dma_start3A_113 : memref<!tpu.dma_semaphore, #tpu.memory_space<semaphore_mem>>)
    %dma_start3A_114 = arith.constant 1 : i32
    %dma_start3A_115 = arith.constant 1 : i32
    %dma_start3A_116 = arith.constant 1 : i32
    %dma_start3A_117 = arith.constant 0 : i32
    %dma_start3A_118 = arith.constant 0 : i32
    %dma_start3A_119 = tpu.memref_slice %arg8[%dma_start3A_115, %dma_start3A_117, %dma_start3A_118] : memref<2x128x128xf32, #tpu.memory_space<vmem>> -> memref<1x128x128xf32, #tpu.memory_space<vmem>>
    %dma_start3A_120 = tpu.memref_squeeze %dma_start3A_119 : memref<1x128x128xf32, #tpu.memory_space<vmem>> -> memref<128x128xf32, #tpu.memory_space<vmem>>
    %dma_start3A_121 = arith.constant 0 : i32
    %dma_start3A_122 = tpu.memref_slice %arg6[%dma_start3A_114, %dma_start3A_121] : memref<40x128xi32, #tpu.memory_space<vmem>> -> memref<1x128xi32, #tpu.memory_space<vmem>>
    %dma_start3A_123 = tpu.memref_squeeze %dma_start3A_122 : memref<1x128xi32, #tpu.memory_space<vmem>> -> memref<128xi32, #tpu.memory_space<vmem>>
    %dma_start3A_124 = arith.constant 0 : i32
    %dma_start3A_125 = arith.constant 0 : i32
    %dma_start3A_126 = tpu.memref_slice %arg2[%dma_start3A_124, %dma_start3A_125] : memref<10000x128xf32, #tpu.memory_space<hbm>> -> memref<10000x128xf32, #tpu.memory_space<hbm>>
    %dma_start3A_127 = tpu.memref_slice %arg10[%dma_start3A_116] : memref<2x!tpu.dma_semaphore, #tpu.memory_space<semaphore_mem>> -> memref<1x!tpu.dma_semaphore, #tpu.memory_space<semaphore_mem>>
    %dma_start3A_128 = tpu.memref_squeeze %dma_start3A_127 : memref<1x!tpu.dma_semaphore, #tpu.memory_space<semaphore_mem>> -> memref<!tpu.dma_semaphore, #tpu.memory_space<semaphore_mem>>
    tpu.enqueue_indirect_dma source(%dma_start3A_126 : memref<10000x128xf32, #tpu.memory_space<hbm>>) target(%dma_start3A_120 : memref<128x128xf32, #tpu.memory_space<vmem>>) offsets(%dma_start3A_123 : memref<128xi32, #tpu.memory_space<vmem>>) semaphore(%dma_start3A_128 : memref<!tpu.dma_semaphore, #tpu.memory_space<semaphore_mem>>)
    %scan3A_129 = arith.constant 0 : i32
    %scan3A_130 = arith.constant 1 : i32
    %scan3A_131 = arith.constant 0 : i32
    %scan3A_132 = arith.constant 0 : i32
    %scan3A_133 = arith.constant 20 : i32
    %scan3A_134 = arith.addi %scan3A_132, %scan3A_133 : i32
    %scan3A_135 = arith.constant 1 : i32
    %scan3A_136 = scf.for %scan3A_173 = %scan3A_132 to %scan3A_134 step %scan3A_135 iter_args(%scan3A_174 = %scan3A_131) -> (i32)  : i32 {
      %mul3A_175 = arith.constant 2 : i32
      %mul3A_176 = arith.muli %scan3A_173, %mul3A_175 : i32
      %add3A_177 = arith.constant 0 : i32
      %add3A_178 = arith.addi %mul3A_176, %add3A_177 : i32
      %dma_wait3A_179 = arith.constant 0 : i32
      %dma_wait3A_180 = arith.constant 0 : i32
      %dma_wait3A_181 = arith.constant 0 : i32
      %dma_wait3A_182 = tpu.memref_slice %arg8[%scan3A_129, %dma_wait3A_180, %dma_wait3A_181] : memref<2x128x128xf32, #tpu.memory_space<vmem>> -> memref<1x128x128xf32, #tpu.memory_space<vmem>>
      %dma_wait3A_183 = tpu.memref_squeeze %dma_wait3A_182 : memref<1x128x128xf32, #tpu.memory_space<vmem>> -> memref<128x128xf32, #tpu.memory_space<vmem>>
      %dma_wait3A_184 = arith.constant 0 : i32
      %dma_wait3A_185 = tpu.memref_slice %arg6[%add3A_178, %dma_wait3A_184] : memref<40x128xi32, #tpu.memory_space<vmem>> -> memref<1x128xi32, #tpu.memory_space<vmem>>
      %dma_wait3A_186 = tpu.memref_squeeze %dma_wait3A_185 : memref<1x128xi32, #tpu.memory_space<vmem>> -> memref<128xi32, #tpu.memory_space<vmem>>
      %dma_wait3A_187 = arith.constant 0 : i32
      %dma_wait3A_188 = arith.constant 0 : i32
      %dma_wait3A_189 = tpu.memref_slice %arg2[%dma_wait3A_187, %dma_wait3A_188] : memref<10000x128xf32, #tpu.memory_space<hbm>> -> memref<10000x128xf32, #tpu.memory_space<hbm>>
      %dma_wait3A_190 = tpu.memref_slice %arg10[%dma_wait3A_179] : memref<2x!tpu.dma_semaphore, #tpu.memory_space<semaphore_mem>> -> memref<1x!tpu.dma_semaphore, #tpu.memory_space<semaphore_mem>>
      %dma_wait3A_191 = tpu.memref_squeeze %dma_wait3A_190 : memref<1x!tpu.dma_semaphore, #tpu.memory_space<semaphore_mem>> -> memref<!tpu.dma_semaphore, #tpu.memory_space<semaphore_mem>>
      tpu.wait_indirect_dma semaphore(%dma_wait3A_191 : memref<!tpu.dma_semaphore, #tpu.memory_space<semaphore_mem>>) src(%dma_wait3A_189 : memref<10000x128xf32, #tpu.memory_space<hbm>>) dst(%dma_wait3A_183 : memref<128x128xf32, #tpu.memory_space<vmem>>)
      %dma_start3A_192 = arith.constant 0 : i32
      %dma_start3A_193 = arith.constant 0 : i32
      %dma_start3A_194 = arith.constant 0 : i32
      %dma_start3A_195 = tpu.memref_slice %arg8[%scan3A_129, %dma_start3A_193, %dma_start3A_194] : memref<2x128x128xf32, #tpu.memory_space<vmem>> -> memref<1x128x128xf32, #tpu.memory_space<vmem>>
      %dma_start3A_196 = tpu.memref_squeeze %dma_start3A_195 : memref<1x128x128xf32, #tpu.memory_space<vmem>> -> memref<128x128xf32, #tpu.memory_space<vmem>>
      %dma_start3A_197 = arith.constant 0 : i32
      %dma_start3A_198 = tpu.memref_slice %arg7[%add3A_178, %dma_start3A_197] : memref<40x128xi32, #tpu.memory_space<vmem>> -> memref<1x128xi32, #tpu.memory_space<vmem>>
      %dma_start3A_199 = tpu.memref_squeeze %dma_start3A_198 : memref<1x128xi32, #tpu.memory_space<vmem>> -> memref<128xi32, #tpu.memory_space<vmem>>
      %dma_start3A_200 = arith.constant 0 : i32
      %dma_start3A_201 = arith.constant 0 : i32
      %dma_start3A_202 = tpu.memref_slice %arg9[%dma_start3A_200, %dma_start3A_201] : memref<10112x128xf32, #tpu.memory_space<vmem_shared>> -> memref<10112x128xf32, #tpu.memory_space<vmem_shared>>
      %dma_start3A_203 = tpu.memref_slice %arg11[%dma_start3A_192] : memref<2x!tpu.dma_semaphore, #tpu.memory_space<semaphore_mem>> -> memref<1x!tpu.dma_semaphore, #tpu.memory_space<semaphore_mem>>
      %dma_start3A_204 = tpu.memref_squeeze %dma_start3A_203 : memref<1x!tpu.dma_semaphore, #tpu.memory_space<semaphore_mem>> -> memref<!tpu.dma_semaphore, #tpu.memory_space<semaphore_mem>>
      tpu.enqueue_indirect_dma source(%dma_start3A_196 : memref<128x128xf32, #tpu.memory_space<vmem>>) target(%dma_start3A_202 : memref<10112x128xf32, #tpu.memory_space<vmem_shared>>) offsets(%dma_start3A_199 : memref<128xi32, #tpu.memory_space<vmem>>) semaphore(%dma_start3A_204 : memref<!tpu.dma_semaphore, #tpu.memory_space<semaphore_mem>>) {add = true}
      %add3A_205 = arith.constant 2 : i32
      %add3A_206 = arith.addi %add3A_178, %add3A_205 : i32
      %lt3A = arith.constant 40 : i32
      %lt3A_207 = arith.cmpi slt, %add3A_206, %lt3A : i32
      %convert_element_type3A = arith.extui %lt3A_207 : i1 to i32
      %cond3A = arith.constant 0 : i32
      %cond3A_208 = arith.cmpi ne, %convert_element_type3A, %cond3A : i32
      scf.if %cond3A_208 {
        %dma_wait3A_247 = arith.constant 0 : i32
        %dma_wait3A_248 = arith.constant 0 : i32
        %dma_wait3A_249 = arith.constant 0 : i32
        %dma_wait3A_250 = tpu.memref_slice %arg8[%scan3A_129, %dma_wait3A_248, %dma_wait3A_249] : memref<2x128x128xf32, #tpu.memory_space<vmem>> -> memref<1x128x128xf32, #tpu.memory_space<vmem>>
        %dma_wait3A_251 = tpu.memref_squeeze %dma_wait3A_250 : memref<1x128x128xf32, #tpu.memory_space<vmem>> -> memref<128x128xf32, #tpu.memory_space<vmem>>
        %dma_wait3A_252 = arith.constant 0 : i32
        %dma_wait3A_253 = tpu.memref_slice %arg7[%add3A_178, %dma_wait3A_252] : memref<40x128xi32, #tpu.memory_space<vmem>> -> memref<1x128xi32, #tpu.memory_space<vmem>>
        %dma_wait3A_254 = tpu.memref_squeeze %dma_wait3A_253 : memref<1x128xi32, #tpu.memory_space<vmem>> -> memref<128xi32, #tpu.memory_space<vmem>>
        %dma_wait3A_255 = arith.constant 0 : i32
        %dma_wait3A_256 = arith.constant 0 : i32
        %dma_wait3A_257 = tpu.memref_slice %arg9[%dma_wait3A_255, %dma_wait3A_256] : memref<10112x128xf32, #tpu.memory_space<vmem_shared>> -> memref<10112x128xf32, #tpu.memory_space<vmem_shared>>
        %dma_wait3A_258 = tpu.memref_slice %arg11[%dma_wait3A_247] : memref<2x!tpu.dma_semaphore, #tpu.memory_space<semaphore_mem>> -> memref<1x!tpu.dma_semaphore, #tpu.memory_space<semaphore_mem>>
        %dma_wait3A_259 = tpu.memref_squeeze %dma_wait3A_258 : memref<1x!tpu.dma_semaphore, #tpu.memory_space<semaphore_mem>> -> memref<!tpu.dma_semaphore, #tpu.memory_space<semaphore_mem>>
        tpu.wait_indirect_dma semaphore(%dma_wait3A_259 : memref<!tpu.dma_semaphore, #tpu.memory_space<semaphore_mem>>) src(%dma_wait3A_251 : memref<128x128xf32, #tpu.memory_space<vmem>>) dst(%dma_wait3A_257 : memref<10112x128xf32, #tpu.memory_space<vmem_shared>>)
        %add3A_260 = arith.constant 2 : i32
        %add3A_261 = arith.addi %add3A_178, %add3A_260 : i32
        %dma_start3A_262 = arith.constant 0 : i32
        %dma_start3A_263 = arith.constant 0 : i32
        %dma_start3A_264 = arith.constant 0 : i32
        %dma_start3A_265 = tpu.memref_slice %arg8[%scan3A_129, %dma_start3A_263, %dma_start3A_264] : memref<2x128x128xf32, #tpu.memory_space<vmem>> -> memref<1x128x128xf32, #tpu.memory_space<vmem>>
        %dma_start3A_266 = tpu.memref_squeeze %dma_start3A_265 : memref<1x128x128xf32, #tpu.memory_space<vmem>> -> memref<128x128xf32, #tpu.memory_space<vmem>>
        %dma_start3A_267 = arith.constant 0 : i32
        %dma_start3A_268 = tpu.memref_slice %arg6[%add3A_261, %dma_start3A_267] : memref<40x128xi32, #tpu.memory_space<vmem>> -> memref<1x128xi32, #tpu.memory_space<vmem>>
        %dma_start3A_269 = tpu.memref_squeeze %dma_start3A_268 : memref<1x128xi32, #tpu.memory_space<vmem>> -> memref<128xi32, #tpu.memory_space<vmem>>
        %dma_start3A_270 = arith.constant 0 : i32
        %dma_start3A_271 = arith.constant 0 : i32
        %dma_start3A_272 = tpu.memref_slice %arg2[%dma_start3A_270, %dma_start3A_271] : memref<10000x128xf32, #tpu.memory_space<hbm>> -> memref<10000x128xf32, #tpu.memory_space<hbm>>
        %dma_start3A_273 = tpu.memref_slice %arg10[%dma_start3A_262] : memref<2x!tpu.dma_semaphore, #tpu.memory_space<semaphore_mem>> -> memref<1x!tpu.dma_semaphore, #tpu.memory_space<semaphore_mem>>
        %dma_start3A_274 = tpu.memref_squeeze %dma_start3A_273 : memref<1x!tpu.dma_semaphore, #tpu.memory_space<semaphore_mem>> -> memref<!tpu.dma_semaphore, #tpu.memory_space<semaphore_mem>>
        tpu.enqueue_indirect_dma source(%dma_start3A_272 : memref<10000x128xf32, #tpu.memory_space<hbm>>) target(%dma_start3A_266 : memref<128x128xf32, #tpu.memory_space<vmem>>) offsets(%dma_start3A_269 : memref<128xi32, #tpu.memory_space<vmem>>) semaphore(%dma_start3A_274 : memref<!tpu.dma_semaphore, #tpu.memory_space<semaphore_mem>>)
      } else {
      }
      %mul3A_209 = arith.constant 2 : i32
      %mul3A_210 = arith.muli %scan3A_173, %mul3A_209 : i32
      %add3A_211 = arith.constant 1 : i32
      %add3A_212 = arith.addi %mul3A_210, %add3A_211 : i32
      %dma_wait3A_213 = arith.constant 1 : i32
      %dma_wait3A_214 = arith.constant 0 : i32
      %dma_wait3A_215 = arith.constant 0 : i32
      %dma_wait3A_216 = tpu.memref_slice %arg8[%scan3A_130, %dma_wait3A_214, %dma_wait3A_215] : memref<2x128x128xf32, #tpu.memory_space<vmem>> -> memref<1x128x128xf32, #tpu.memory_space<vmem>>
      %dma_wait3A_217 = tpu.memref_squeeze %dma_wait3A_216 : memref<1x128x128xf32, #tpu.memory_space<vmem>> -> memref<128x128xf32, #tpu.memory_space<vmem>>
      %dma_wait3A_218 = arith.constant 0 : i32
      %dma_wait3A_219 = tpu.memref_slice %arg6[%add3A_212, %dma_wait3A_218] : memref<40x128xi32, #tpu.memory_space<vmem>> -> memref<1x128xi32, #tpu.memory_space<vmem>>
      %dma_wait3A_220 = tpu.memref_squeeze %dma_wait3A_219 : memref<1x128xi32, #tpu.memory_space<vmem>> -> memref<128xi32, #tpu.memory_space<vmem>>
      %dma_wait3A_221 = arith.constant 0 : i32
      %dma_wait3A_222 = arith.constant 0 : i32
      %dma_wait3A_223 = tpu.memref_slice %arg2[%dma_wait3A_221, %dma_wait3A_222] : memref<10000x128xf32, #tpu.memory_space<hbm>> -> memref<10000x128xf32, #tpu.memory_space<hbm>>
      %dma_wait3A_224 = tpu.memref_slice %arg10[%dma_wait3A_213] : memref<2x!tpu.dma_semaphore, #tpu.memory_space<semaphore_mem>> -> memref<1x!tpu.dma_semaphore, #tpu.memory_space<semaphore_mem>>
      %dma_wait3A_225 = tpu.memref_squeeze %dma_wait3A_224 : memref<1x!tpu.dma_semaphore, #tpu.memory_space<semaphore_mem>> -> memref<!tpu.dma_semaphore, #tpu.memory_space<semaphore_mem>>
      tpu.wait_indirect_dma semaphore(%dma_wait3A_225 : memref<!tpu.dma_semaphore, #tpu.memory_space<semaphore_mem>>) src(%dma_wait3A_223 : memref<10000x128xf32, #tpu.memory_space<hbm>>) dst(%dma_wait3A_217 : memref<128x128xf32, #tpu.memory_space<vmem>>)
      %dma_start3A_226 = arith.constant 1 : i32
      %dma_start3A_227 = arith.constant 0 : i32
      %dma_start3A_228 = arith.constant 0 : i32
      %dma_start3A_229 = tpu.memref_slice %arg8[%scan3A_130, %dma_start3A_227, %dma_start3A_228] : memref<2x128x128xf32, #tpu.memory_space<vmem>> -> memref<1x128x128xf32, #tpu.memory_space<vmem>>
      %dma_start3A_230 = tpu.memref_squeeze %dma_start3A_229 : memref<1x128x128xf32, #tpu.memory_space<vmem>> -> memref<128x128xf32, #tpu.memory_space<vmem>>
      %dma_start3A_231 = arith.constant 0 : i32
      %dma_start3A_232 = tpu.memref_slice %arg7[%add3A_212, %dma_start3A_231] : memref<40x128xi32, #tpu.memory_space<vmem>> -> memref<1x128xi32, #tpu.memory_space<vmem>>
      %dma_start3A_233 = tpu.memref_squeeze %dma_start3A_232 : memref<1x128xi32, #tpu.memory_space<vmem>> -> memref<128xi32, #tpu.memory_space<vmem>>
      %dma_start3A_234 = arith.constant 0 : i32
      %dma_start3A_235 = arith.constant 0 : i32
      %dma_start3A_236 = tpu.memref_slice %arg9[%dma_start3A_234, %dma_start3A_235] : memref<10112x128xf32, #tpu.memory_space<vmem_shared>> -> memref<10112x128xf32, #tpu.memory_space<vmem_shared>>
      %dma_start3A_237 = tpu.memref_slice %arg11[%dma_start3A_226] : memref<2x!tpu.dma_semaphore, #tpu.memory_space<semaphore_mem>> -> memref<1x!tpu.dma_semaphore, #tpu.memory_space<semaphore_mem>>
      %dma_start3A_238 = tpu.memref_squeeze %dma_start3A_237 : memref<1x!tpu.dma_semaphore, #tpu.memory_space<semaphore_mem>> -> memref<!tpu.dma_semaphore, #tpu.memory_space<semaphore_mem>>
      tpu.enqueue_indirect_dma source(%dma_start3A_230 : memref<128x128xf32, #tpu.memory_space<vmem>>) target(%dma_start3A_236 : memref<10112x128xf32, #tpu.memory_space<vmem_shared>>) offsets(%dma_start3A_233 : memref<128xi32, #tpu.memory_space<vmem>>) semaphore(%dma_start3A_238 : memref<!tpu.dma_semaphore, #tpu.memory_space<semaphore_mem>>) {add = true}
      %add3A_239 = arith.constant 2 : i32
      %add3A_240 = arith.addi %add3A_212, %add3A_239 : i32
      %lt3A_241 = arith.constant 40 : i32
      %lt3A_242 = arith.cmpi slt, %add3A_240, %lt3A_241 : i32
      %convert_element_type3A_243 = arith.extui %lt3A_242 : i1 to i32
      %cond3A_244 = arith.constant 0 : i32
      %cond3A_245 = arith.cmpi ne, %convert_element_type3A_243, %cond3A_244 : i32
      scf.if %cond3A_245 {
        %dma_wait3A_247 = arith.constant 1 : i32
        %dma_wait3A_248 = arith.constant 0 : i32
        %dma_wait3A_249 = arith.constant 0 : i32
        %dma_wait3A_250 = tpu.memref_slice %arg8[%scan3A_130, %dma_wait3A_248, %dma_wait3A_249] : memref<2x128x128xf32, #tpu.memory_space<vmem>> -> memref<1x128x128xf32, #tpu.memory_space<vmem>>
        %dma_wait3A_251 = tpu.memref_squeeze %dma_wait3A_250 : memref<1x128x128xf32, #tpu.memory_space<vmem>> -> memref<128x128xf32, #tpu.memory_space<vmem>>
        %dma_wait3A_252 = arith.constant 0 : i32
        %dma_wait3A_253 = tpu.memref_slice %arg7[%add3A_212, %dma_wait3A_252] : memref<40x128xi32, #tpu.memory_space<vmem>> -> memref<1x128xi32, #tpu.memory_space<vmem>>
        %dma_wait3A_254 = tpu.memref_squeeze %dma_wait3A_253 : memref<1x128xi32, #tpu.memory_space<vmem>> -> memref<128xi32, #tpu.memory_space<vmem>>
        %dma_wait3A_255 = arith.constant 0 : i32
        %dma_wait3A_256 = arith.constant 0 : i32
        %dma_wait3A_257 = tpu.memref_slice %arg9[%dma_wait3A_255, %dma_wait3A_256] : memref<10112x128xf32, #tpu.memory_space<vmem_shared>> -> memref<10112x128xf32, #tpu.memory_space<vmem_shared>>
        %dma_wait3A_258 = tpu.memref_slice %arg11[%dma_wait3A_247] : memref<2x!tpu.dma_semaphore, #tpu.memory_space<semaphore_mem>> -> memref<1x!tpu.dma_semaphore, #tpu.memory_space<semaphore_mem>>
        %dma_wait3A_259 = tpu.memref_squeeze %dma_wait3A_258 : memref<1x!tpu.dma_semaphore, #tpu.memory_space<semaphore_mem>> -> memref<!tpu.dma_semaphore, #tpu.memory_space<semaphore_mem>>
        tpu.wait_indirect_dma semaphore(%dma_wait3A_259 : memref<!tpu.dma_semaphore, #tpu.memory_space<semaphore_mem>>) src(%dma_wait3A_251 : memref<128x128xf32, #tpu.memory_space<vmem>>) dst(%dma_wait3A_257 : memref<10112x128xf32, #tpu.memory_space<vmem_shared>>)
        %add3A_260 = arith.constant 2 : i32
        %add3A_261 = arith.addi %add3A_212, %add3A_260 : i32
        %dma_start3A_262 = arith.constant 1 : i32
        %dma_start3A_263 = arith.constant 0 : i32
        %dma_start3A_264 = arith.constant 0 : i32
        %dma_start3A_265 = tpu.memref_slice %arg8[%scan3A_130, %dma_start3A_263, %dma_start3A_264] : memref<2x128x128xf32, #tpu.memory_space<vmem>> -> memref<1x128x128xf32, #tpu.memory_space<vmem>>
        %dma_start3A_266 = tpu.memref_squeeze %dma_start3A_265 : memref<1x128x128xf32, #tpu.memory_space<vmem>> -> memref<128x128xf32, #tpu.memory_space<vmem>>
        %dma_start3A_267 = arith.constant 0 : i32
        %dma_start3A_268 = tpu.memref_slice %arg6[%add3A_261, %dma_start3A_267] : memref<40x128xi32, #tpu.memory_space<vmem>> -> memref<1x128xi32, #tpu.memory_space<vmem>>
        %dma_start3A_269 = tpu.memref_squeeze %dma_start3A_268 : memref<1x128xi32, #tpu.memory_space<vmem>> -> memref<128xi32, #tpu.memory_space<vmem>>
        %dma_start3A_270 = arith.constant 0 : i32
        %dma_start3A_271 = arith.constant 0 : i32
        %dma_start3A_272 = tpu.memref_slice %arg2[%dma_start3A_270, %dma_start3A_271] : memref<10000x128xf32, #tpu.memory_space<hbm>> -> memref<10000x128xf32, #tpu.memory_space<hbm>>
        %dma_start3A_273 = tpu.memref_slice %arg10[%dma_start3A_262] : memref<2x!tpu.dma_semaphore, #tpu.memory_space<semaphore_mem>> -> memref<1x!tpu.dma_semaphore, #tpu.memory_space<semaphore_mem>>
        %dma_start3A_274 = tpu.memref_squeeze %dma_start3A_273 : memref<1x!tpu.dma_semaphore, #tpu.memory_space<semaphore_mem>> -> memref<!tpu.dma_semaphore, #tpu.memory_space<semaphore_mem>>
        tpu.enqueue_indirect_dma source(%dma_start3A_272 : memref<10000x128xf32, #tpu.memory_space<hbm>>) target(%dma_start3A_266 : memref<128x128xf32, #tpu.memory_space<vmem>>) offsets(%dma_start3A_269 : memref<128xi32, #tpu.memory_space<vmem>>) semaphore(%dma_start3A_274 : memref<!tpu.dma_semaphore, #tpu.memory_space<semaphore_mem>>)
      } else {
      }
      %scan3A_246 = arith.constant 0 : i32
      scf.yield %scan3A_246 : i32
    }
    %scan3A_137 = arith.constant 20 : i32
    %dma_wait3A_138 = arith.constant 0 : i32
    %dma_wait3A_139 = arith.constant 0 : i32
    %dma_wait3A_140 = arith.constant 0 : i32
    %dma_wait3A_141 = arith.constant 0 : i32
    %dma_wait3A_142 = arith.constant 0 : i32
    %dma_wait3A_143 = tpu.memref_slice %arg8[%dma_wait3A_138, %dma_wait3A_141, %dma_wait3A_142] : memref<2x128x128xf32, #tpu.memory_space<vmem>> -> memref<1x128x128xf32, #tpu.memory_space<vmem>>
    %dma_wait3A_144 = tpu.memref_squeeze %dma_wait3A_143 : memref<1x128x128xf32, #tpu.memory_space<vmem>> -> memref<128x128xf32, #tpu.memory_space<vmem>>
    %dma_wait3A_145 = arith.constant 0 : i32
    %dma_wait3A_146 = tpu.memref_slice %arg7[%dma_wait3A_139, %dma_wait3A_145] : memref<40x128xi32, #tpu.memory_space<vmem>> -> memref<1x128xi32, #tpu.memory_space<vmem>>
    %dma_wait3A_147 = tpu.memref_squeeze %dma_wait3A_146 : memref<1x128xi32, #tpu.memory_space<vmem>> -> memref<128xi32, #tpu.memory_space<vmem>>
    %dma_wait3A_148 = arith.constant 0 : i32
    %dma_wait3A_149 = arith.constant 0 : i32
    %dma_wait3A_150 = tpu.memref_slice %arg9[%dma_wait3A_148, %dma_wait3A_149] : memref<10112x128xf32, #tpu.memory_space<vmem_shared>> -> memref<10112x128xf32, #tpu.memory_space<vmem_shared>>
    %dma_wait3A_151 = tpu.memref_slice %arg11[%dma_wait3A_140] : memref<2x!tpu.dma_semaphore, #tpu.memory_space<semaphore_mem>> -> memref<1x!tpu.dma_semaphore, #tpu.memory_space<semaphore_mem>>
    %dma_wait3A_152 = tpu.memref_squeeze %dma_wait3A_151 : memref<1x!tpu.dma_semaphore, #tpu.memory_space<semaphore_mem>> -> memref<!tpu.dma_semaphore, #tpu.memory_space<semaphore_mem>>
    tpu.wait_indirect_dma semaphore(%dma_wait3A_152 : memref<!tpu.dma_semaphore, #tpu.memory_space<semaphore_mem>>) src(%dma_wait3A_144 : memref<128x128xf32, #tpu.memory_space<vmem>>) dst(%dma_wait3A_150 : memref<10112x128xf32, #tpu.memory_space<vmem_shared>>)
    %dma_wait3A_153 = arith.constant 1 : i32
    %dma_wait3A_154 = arith.constant 0 : i32
    %dma_wait3A_155 = arith.constant 1 : i32
    %dma_wait3A_156 = arith.constant 0 : i32
    %dma_wait3A_157 = arith.constant 0 : i32
    %dma_wait3A_158 = tpu.memref_slice %arg8[%dma_wait3A_153, %dma_wait3A_156, %dma_wait3A_157] : memref<2x128x128xf32, #tpu.memory_space<vmem>> -> memref<1x128x128xf32, #tpu.memory_space<vmem>>
    %dma_wait3A_159 = tpu.memref_squeeze %dma_wait3A_158 : memref<1x128x128xf32, #tpu.memory_space<vmem>> -> memref<128x128xf32, #tpu.memory_space<vmem>>
    %dma_wait3A_160 = arith.constant 0 : i32
    %dma_wait3A_161 = tpu.memref_slice %arg7[%dma_wait3A_154, %dma_wait3A_160] : memref<40x128xi32, #tpu.memory_space<vmem>> -> memref<1x128xi32, #tpu.memory_space<vmem>>
    %dma_wait3A_162 = tpu.memref_squeeze %dma_wait3A_161 : memref<1x128xi32, #tpu.memory_space<vmem>> -> memref<128xi32, #tpu.memory_space<vmem>>
    %dma_wait3A_163 = arith.constant 0 : i32
    %dma_wait3A_164 = arith.constant 0 : i32
    %dma_wait3A_165 = tpu.memref_slice %arg9[%dma_wait3A_163, %dma_wait3A_164] : memref<10112x128xf32, #tpu.memory_space<vmem_shared>> -> memref<10112x128xf32, #tpu.memory_space<vmem_shared>>
    %dma_wait3A_166 = tpu.memref_slice %arg11[%dma_wait3A_155] : memref<2x!tpu.dma_semaphore, #tpu.memory_space<semaphore_mem>> -> memref<1x!tpu.dma_semaphore, #tpu.memory_space<semaphore_mem>>
    %dma_wait3A_167 = tpu.memref_squeeze %dma_wait3A_166 : memref<1x!tpu.dma_semaphore, #tpu.memory_space<semaphore_mem>> -> memref<!tpu.dma_semaphore, #tpu.memory_space<semaphore_mem>>
    tpu.wait_indirect_dma semaphore(%dma_wait3A_167 : memref<!tpu.dma_semaphore, #tpu.memory_space<semaphore_mem>>) src(%dma_wait3A_159 : memref<128x128xf32, #tpu.memory_space<vmem>>) dst(%dma_wait3A_165 : memref<10112x128xf32, #tpu.memory_space<vmem_shared>>)
    %barrier3A_168 = arith.constant 0 : index
    tpu.barrier barrier_id(%barrier3A_168)
    %mul3A_169 = arith.constant 632 : i32
    %mul3A_170 = arith.muli %arg1, %mul3A_169 : i32
    %mul3A_171 = arith.constant 632 : i32
    %mul3A_172 = arith.muli %arg1, %mul3A_171 : i32
    "tpu.region"() ({
      %run_scoped3A_173 = tpu.sem_alloc : memref<!tpu.dma_semaphore, #tpu.memory_space<semaphore_mem>>
      %dma_start3A_174 = arith.constant 0 : i32
      %dma_start3A_175 = tpu.memref_slice %arg5[%arg0, %mul3A_172, %dma_start3A_174] : memref<2x10112x128xf32, #tpu.memory_space<hbm>> -> memref<1x632x128xf32, #tpu.memory_space<hbm>>
      %dma_start3A_176 = tpu.memref_squeeze %dma_start3A_175 : memref<1x632x128xf32, #tpu.memory_space<hbm>> -> memref<632x128xf32, #tpu.memory_space<hbm>>
      %dma_start3A_177 = arith.constant 0 : i32
      %dma_start3A_178 = tpu.memref_slice %arg9[%mul3A_170, %dma_start3A_177] : memref<10112x128xf32, #tpu.memory_space<vmem_shared>> -> memref<632x128xf32, #tpu.memory_space<vmem_shared>>
      tpu.enqueue_dma source(%dma_start3A_178 : memref<632x128xf32, #tpu.memory_space<vmem_shared>>) target(%dma_start3A_176 : memref<632x128xf32, #tpu.memory_space<hbm>>) target_semaphore(%run_scoped3A_173 : memref<!tpu.dma_semaphore, #tpu.memory_space<semaphore_mem>>)
      %dma_wait3A_179 = arith.constant 0 : i32
      %dma_wait3A_180 = tpu.memref_slice %arg5[%arg0, %mul3A_172, %dma_wait3A_179] : memref<2x10112x128xf32, #tpu.memory_space<hbm>> -> memref<1x632x128xf32, #tpu.memory_space<hbm>>
      %dma_wait3A_181 = tpu.memref_squeeze %dma_wait3A_180 : memref<1x632x128xf32, #tpu.memory_space<hbm>> -> memref<632x128xf32, #tpu.memory_space<hbm>>
      %dma_wait3A_182 = arith.constant 0 : i32
      %dma_wait3A_183 = tpu.memref_slice %arg9[%mul3A_170, %dma_wait3A_182] : memref<10112x128xf32, #tpu.memory_space<vmem_shared>> -> memref<632x128xf32, #tpu.memory_space<vmem_shared>>
      tpu.wait_dma2 semaphore(%run_scoped3A_173 : memref<!tpu.dma_semaphore, #tpu.memory_space<semaphore_mem>>) src(%dma_wait3A_183 : memref<632x128xf32, #tpu.memory_space<vmem_shared>>) dst(%dma_wait3A_181 : memref<632x128xf32, #tpu.memory_space<hbm>>)
      tpu.yield
    }) : () -> ()
    return
  }
}

#map = affine_map<(d0, d1) -> (0)>
#map1 = affine_map<(d0, d1) -> (0, 0)>
module attributes {stable_mosaic.version = 14 : i64} {
  func.func @_hist_body(%arg0: i32, %arg1: i32, %arg2: memref<320000xi32, #tpu.memory_space<hbm>>, %arg3: memref<32x10112xf32, #tpu.memory_space<hbm>>, %arg4: memref<10000xi32, #tpu.memory_space<vmem>>, %arg5: memref<10112xf32, #tpu.memory_space<vmem>>) attributes {dimension_semantics = [#tpu.dimension_semantics<core_parallel>, #tpu.dimension_semantics<subcore_parallel>], iteration_bounds = array<i64: 2, 16>, scalar_prefetch = 0 : i64, scratch_operands = 2 : i64, tpu.core_type = #tpu.core_type<sc_vector_subcore>, window_params = [{transform_indices = #map}, {transform_indices = #map1}]} {
    %mul3A = arith.constant 2 : i32
    %mul3A_0 = arith.muli %arg1, %mul3A : i32
    %add3A = arith.addi %mul3A_0, %arg0 : i32
    %broadcast_in_dim3A = arith.constant 0.000000e+00 : f32
    %broadcast_in_dim3A_1 = vector.broadcast %broadcast_in_dim3A : f32 to vector<16xf32>
    %broadcast_in_dim3A_2 = arith.constant 1.000000e+00 : f32
    %broadcast_in_dim3A_3 = vector.broadcast %broadcast_in_dim3A_2 : f32 to vector<16xf32>
    %scan3A = arith.constant 0 : i32
    %scan3A_4 = arith.constant 0 : i32
    %scan3A_5 = arith.constant 632 : i32
    %scan3A_6 = arith.addi %scan3A_4, %scan3A_5 : i32
    %scan3A_7 = arith.constant 1 : i32
    %scan3A_8 = scf.for %scan3A_19 = %scan3A_4 to %scan3A_6 step %scan3A_7 iter_args(%scan3A_20 = %scan3A) -> (i32)  : i32 {
      %mul3A_21 = arith.constant 16 : i32
      %mul3A_22 = arith.muli %scan3A_19, %mul3A_21 : i32
      %swap3A = arith.index_cast %mul3A_22 : i32 to index
      %swap3A_23 = tpu.vector_load %arg5[%swap3A] {strides = array<i32>} : memref<10112xf32, #tpu.memory_space<vmem>>, vector<16xf32>,
      tpu.vector_store %arg5[%swap3A], %broadcast_in_dim3A_1 {strides = array<i32>} : memref<10112xf32, #tpu.memory_space<vmem>>, vector<16xf32>,
      %scan3A_24 = arith.constant 0 : i32
      scf.yield %scan3A_24 : i32
    }
    %scan3A_9 = arith.constant 632 : i32
    %mul3A_10 = arith.constant 10000 : i32
    %mul3A_11 = arith.muli %add3A, %mul3A_10 : i32
    %multiple_of3A = tpu.assume_multiple %mul3A_11, 8 : i32
    "tpu.region"() ({
      %run_scoped3A = tpu.sem_alloc : memref<!tpu.dma_semaphore, #tpu.memory_space<semaphore_mem>>
      %dma_start3A = tpu.memref_slice %arg2[%multiple_of3A] : memref<320000xi32, #tpu.memory_space<hbm>> -> memref<10000xi32, #tpu.memory_space<hbm>>
      %dma_start3A_19 = tpu.memref_slice %arg2[%multiple_of3A] : memref<320000xi32, #tpu.memory_space<hbm>> -> memref<10000xi32, #tpu.memory_space<hbm>>
      tpu.enqueue_dma source(%dma_start3A_19 : memref<10000xi32, #tpu.memory_space<hbm>>) target(%arg4 : memref<10000xi32, #tpu.memory_space<vmem>>) target_semaphore(%run_scoped3A : memref<!tpu.dma_semaphore, #tpu.memory_space<semaphore_mem>>)
      %dma_wait3A = tpu.memref_slice %arg2[%multiple_of3A] : memref<320000xi32, #tpu.memory_space<hbm>> -> memref<10000xi32, #tpu.memory_space<hbm>>
      %dma_wait3A_20 = tpu.memref_slice %arg2[%multiple_of3A] : memref<320000xi32, #tpu.memory_space<hbm>> -> memref<10000xi32, #tpu.memory_space<hbm>>
      tpu.wait_dma2 semaphore(%run_scoped3A : memref<!tpu.dma_semaphore, #tpu.memory_space<semaphore_mem>>) src(%dma_wait3A_20 : memref<10000xi32, #tpu.memory_space<hbm>>) dst(%arg4 : memref<10000xi32, #tpu.memory_space<vmem>>)
      tpu.yield
    }) : () -> ()
    %scan3A_12 = arith.constant 0 : i32
    %scan3A_13 = arith.constant 0 : i32
    %scan3A_14 = arith.constant 625 : i32
    %scan3A_15 = arith.addi %scan3A_13, %scan3A_14 : i32
    %scan3A_16 = arith.constant 1 : i32
    %scan3A_17 = scf.for %scan3A_19 = %scan3A_13 to %scan3A_15 step %scan3A_16 iter_args(%scan3A_20 = %scan3A_12) -> (i32)  : i32 {
      %mul3A_21 = arith.constant 16 : i32
      %mul3A_22 = arith.muli %scan3A_19, %mul3A_21 : i32
      %get3A = arith.index_cast %mul3A_22 : i32 to index
      %get3A_23 = tpu.vector_load %arg4[%get3A] {strides = array<i32>} : memref<10000xi32, #tpu.memory_space<vmem>>, vector<16xi32>,
      tpu.vector_store_idx %arg5[%get3A_23], %broadcast_in_dim3A_3 {add = true} : memref<10112xf32, #tpu.memory_space<vmem>>[vector<16xi32>], vector<16xf32>,
      %scan3A_24 = arith.constant 0 : i32
      scf.yield %scan3A_24 : i32
    }
    %scan3A_18 = arith.constant 625 : i32
    "tpu.region"() ({
      %run_scoped3A = tpu.sem_alloc : memref<!tpu.dma_semaphore, #tpu.memory_space<semaphore_mem>>
      %dma_start3A = arith.constant 0 : i32
      %dma_start3A_19 = tpu.memref_slice %arg3[%add3A, %dma_start3A] : memref<32x10112xf32, #tpu.memory_space<hbm>> -> memref<1x10112xf32, #tpu.memory_space<hbm>>
      %dma_start3A_20 = tpu.memref_squeeze %dma_start3A_19 : memref<1x10112xf32, #tpu.memory_space<hbm>> -> memref<10112xf32, #tpu.memory_space<hbm>>
      %dma_start3A_21 = arith.constant 0 : i32
      %dma_start3A_22 = tpu.memref_slice %arg3[%add3A, %dma_start3A_21] : memref<32x10112xf32, #tpu.memory_space<hbm>> -> memref<1x10112xf32, #tpu.memory_space<hbm>>
      %dma_start3A_23 = tpu.memref_squeeze %dma_start3A_22 : memref<1x10112xf32, #tpu.memory_space<hbm>> -> memref<10112xf32, #tpu.memory_space<hbm>>
      tpu.enqueue_dma source(%arg5 : memref<10112xf32, #tpu.memory_space<vmem>>) target(%dma_start3A_23 : memref<10112xf32, #tpu.memory_space<hbm>>) target_semaphore(%run_scoped3A : memref<!tpu.dma_semaphore, #tpu.memory_space<semaphore_mem>>)
      %dma_wait3A = arith.constant 0 : i32
      %dma_wait3A_24 = tpu.memref_slice %arg3[%add3A, %dma_wait3A] : memref<32x10112xf32, #tpu.memory_space<hbm>> -> memref<1x10112xf32, #tpu.memory_space<hbm>>
      %dma_wait3A_25 = tpu.memref_squeeze %dma_wait3A_24 : memref<1x10112xf32, #tpu.memory_space<hbm>> -> memref<10112xf32, #tpu.memory_space<hbm>>
      %dma_wait3A_26 = arith.constant 0 : i32
      %dma_wait3A_27 = tpu.memref_slice %arg3[%add3A, %dma_wait3A_26] : memref<32x10112xf32, #tpu.memory_space<hbm>> -> memref<1x10112xf32, #tpu.memory_space<hbm>>
      %dma_wait3A_28 = tpu.memref_squeeze %dma_wait3A_27 : memref<1x10112xf32, #tpu.memory_space<hbm>> -> memref<10112xf32, #tpu.memory_space<hbm>>
      tpu.wait_dma2 semaphore(%run_scoped3A : memref<!tpu.dma_semaphore, #tpu.memory_space<semaphore_mem>>) src(%arg5 : memref<10112xf32, #tpu.memory_space<vmem>>) dst(%dma_wait3A_28 : memref<10112xf32, #tpu.memory_space<hbm>>)
      tpu.yield
    }) : () -> ()
    return
  }
}

module attributes {stable_mosaic.version = 14 : i64} {
  func.func @_finish_body(%arg0: i32, %arg1: memref<2x1024x128xf32, #tpu.memory_space<vmem>>, %arg2: memref<1024x128xf32, #tpu.memory_space<vmem>>, %arg3: memref<32x1024xf32, #tpu.memory_space<vmem>>, %arg4: memref<128xf32, #tpu.memory_space<vmem>>, %arg5: memref<128xf32, #tpu.memory_space<vmem>>, %arg6: memref<1024x128xf32, #tpu.memory_space<vmem>>) attributes {dimension_semantics = [#tpu.dimension_semantics<arbitrary>], iteration_bounds = array<i64: 10>, scalar_prefetch = 0 : i64, scratch_operands = 0 : i64, tpu.core_type = #tpu.core_type<tc>, window_params = [{transform_indices = @transform_0, window_bounds = array<i64: 2, 1024, 128>}, {transform_indices = @transform_1, window_bounds = array<i64: 1024, 128>}, {transform_indices = @transform_2, window_bounds = array<i64: 32, 1024>}, {pipeline_mode = #tpu.pipeline_mode<synchronous>, transform_indices = @transform_3, window_bounds = array<i64: 128>}, {pipeline_mode = #tpu.pipeline_mode<synchronous>, transform_indices = @transform_4, window_bounds = array<i64: 128>}, {transform_indices = @transform_5, window_bounds = array<i64: 1024, 128>}]} {
    %get3A = arith.constant 0 : index
    %get3A_0 = arith.constant 0 : index
    %get3A_1 = vector.load %arg3[%get3A, %get3A_0] : memref<32x1024xf32, #tpu.memory_space<vmem>>, vector<32x1024xf32>
    %reduce_sum3A = arith.constant dense<0.000000e+00> : vector<1024xf32>
    %reduce_sum3A_2 = vector.multi_reduction <add>, %get3A_1, %reduce_sum3A [0] : vector<32x1024xf32> to vector<1024xf32>
    %add3A = arith.constant 1.000000e+00 : f32
    %add3A_3 = vector.broadcast %add3A : f32 to vector<1024xf32>
    %add3A_4 = arith.addf %add3A_3, %reduce_sum3A_2 : vector<1024xf32>
    %rsqrt3A = math.rsqrt %add3A_4 : vector<1024xf32>
    %broadcast_in_dim3A = vector.shape_cast %rsqrt3A : vector<1024xf32> to vector<1024x1xf32>
    %get3A_5 = arith.constant 0 : index
    %get3A_6 = arith.constant 0 : index
    %get3A_7 = arith.constant 0 : index
    %get3A_8 = vector.load %arg1[%get3A_5, %get3A_6, %get3A_7] : memref<2x1024x128xf32, #tpu.memory_space<vmem>>, vector<1x1024x128xf32>
    %get3A_9 = vector.shape_cast %get3A_8 : vector<1x1024x128xf32> to vector<1024x128xf32>
    %get3A_10 = arith.constant 1 : index
    %get3A_11 = arith.constant 0 : index
    %get3A_12 = arith.constant 0 : index
    %get3A_13 = vector.load %arg1[%get3A_10, %get3A_11, %get3A_12] : memref<2x1024x128xf32, #tpu.memory_space<vmem>>, vector<1x1024x128xf32>
    %get3A_14 = vector.shape_cast %get3A_13 : vector<1x1024x128xf32> to vector<1024x128xf32>
    %add3A_15 = arith.addf %get3A_9, %get3A_14 : vector<1024x128xf32>
    %get3A_16 = arith.constant 0 : index
    %get3A_17 = arith.constant 0 : index
    %get3A_18 = vector.load %arg2[%get3A_16, %get3A_17] : memref<1024x128xf32, #tpu.memory_space<vmem>>, vector<1024x128xf32>
    %add3A_19 = arith.addf %add3A_15, %get3A_18 : vector<1024x128xf32>
    %mul3A = vector.broadcast %broadcast_in_dim3A : vector<1024x1xf32> to vector<1024x128xf32>
    %mul3A_20 = arith.mulf %mul3A, %add3A_19 : vector<1024x128xf32>
    %get3A_21 = arith.constant 0 : index
    %get3A_22 = vector.load %arg4[%get3A_21] : memref<128xf32, #tpu.memory_space<vmem>>, vector<128xf32>
    %broadcast_in_dim3A_23 = vector.shape_cast %get3A_22 : vector<128xf32> to vector<1x128xf32>
    %add3A_24 = vector.broadcast %broadcast_in_dim3A_23 : vector<1x128xf32> to vector<1024x128xf32>
    %add3A_25 = arith.addf %mul3A_20, %add3A_24 : vector<1024x128xf32>
    %ge3A = arith.constant 0.000000e+00 : f32
    %ge3A_26 = vector.broadcast %ge3A : f32 to vector<1024x128xf32>
    %ge3A_27 = arith.cmpf oge, %add3A_25, %ge3A_26 : vector<1024x128xf32>
    %get3A_28 = arith.constant 0 : index
    %get3A_29 = vector.load %arg5[%get3A_28] : memref<128xf32, #tpu.memory_space<vmem>>, vector<128xf32>
    %broadcast_in_dim3A_30 = vector.shape_cast %get3A_29 : vector<128xf32> to vector<1x128xf32>
    %mul3A_31 = vector.broadcast %broadcast_in_dim3A_30 : vector<1x128xf32> to vector<1024x128xf32>
    %mul3A_32 = arith.mulf %mul3A_31, %add3A_25 : vector<1024x128xf32>
    %select_n3A = arith.select %ge3A_27, %add3A_25, %mul3A_32 : vector<1024x128xi1>, vector<1024x128xf32>
    %swap3A = arith.constant 0 : index
    %swap3A_33 = arith.constant 0 : index
    %swap3A_34 = vector.load %arg6[%swap3A, %swap3A_33] : memref<1024x128xf32, #tpu.memory_space<vmem>>, vector<1024x128xf32>
    tpu.vector_store %arg6[%swap3A, %swap3A_33], %select_n3A {strides = array<i32>} : memref<1024x128xf32, #tpu.memory_space<vmem>>, vector<1024x128xf32>,
    return
  }
  func.func @transform_0(%arg0: i32) -> (i32, i32, i32) {
    %c0_i32 = arith.constant 0 : i32
    %c0_i32_0 = arith.constant 0 : i32
    %c0_i32_1 = arith.constant 0 : i32
    return %c0_i32, %arg0, %c0_i32_0 : i32, i32, i32
  }
  func.func @transform_1(%arg0: i32) -> (i32, i32) {
    %c0_i32 = arith.constant 0 : i32
    %c0_i32_0 = arith.constant 0 : i32
    return %arg0, %c0_i32 : i32, i32
  }
  func.func @transform_2(%arg0: i32) -> (i32, i32) {
    %c0_i32 = arith.constant 0 : i32
    %c0_i32_0 = arith.constant 0 : i32
    return %c0_i32, %arg0 : i32, i32
  }
  func.func @transform_3(%arg0: i32) -> i32 {
    %c0_i32 = arith.constant 0 : i32
    %c0_i32_0 = arith.constant 0 : i32
    return %c0_i32 : i32
  }
  func.func @transform_4(%arg0: i32) -> i32 {
    %c0_i32 = arith.constant 0 : i32
    %c0_i32_0 = arith.constant 0 : i32
    return %c0_i32 : i32
  }
  func.func @transform_5(%arg0: i32) -> (i32, i32) {
    %c0_i32 = arith.constant 0 : i32
    %c0_i32_0 = arith.constant 0 : i32
    return %arg0, %c0_i32 : i32, i32
  }
}

module attributes {stable_mosaic.version = 14 : i64} {
  func.func @_scale_matmul_body(%arg0: i32, %arg1: memref<1024x128xf32, #tpu.memory_space<vmem>>, %arg2: memref<128x128xf32, #tpu.memory_space<vmem>>, %arg3: memref<32x1024xf32, #tpu.memory_space<vmem>>, %arg4: memref<1024x128xf32, #tpu.memory_space<vmem>>) attributes {dimension_semantics = [#tpu.dimension_semantics<arbitrary>], iteration_bounds = array<i64: 10>, scalar_prefetch = 0 : i64, scratch_operands = 0 : i64, tpu.core_type = #tpu.core_type<tc>, window_params = [{transform_indices = @transform_0, window_bounds = array<i64: 1024, 128>}, {pipeline_mode = #tpu.pipeline_mode<synchronous>, transform_indices = @transform_1, window_bounds = array<i64: 128, 128>}, {transform_indices = @transform_2, window_bounds = array<i64: 32, 1024>}, {transform_indices = @transform_3, window_bounds = array<i64: 1024, 128>}]} {
    %get3A = arith.constant 0 : index
    %get3A_0 = arith.constant 0 : index
    %get3A_1 = vector.load %arg3[%get3A, %get3A_0] : memref<32x1024xf32, #tpu.memory_space<vmem>>, vector<32x1024xf32>
    %reduce_sum3A = arith.constant dense<0.000000e+00> : vector<1024xf32>
    %reduce_sum3A_2 = vector.multi_reduction <add>, %get3A_1, %reduce_sum3A [0] : vector<32x1024xf32> to vector<1024xf32>
    %add3A = arith.constant 1.000000e+00 : f32
    %add3A_3 = vector.broadcast %add3A : f32 to vector<1024xf32>
    %add3A_4 = arith.addf %add3A_3, %reduce_sum3A_2 : vector<1024xf32>
    %rsqrt3A = math.rsqrt %add3A_4 : vector<1024xf32>
    %get3A_5 = arith.constant 0 : index
    %get3A_6 = arith.constant 0 : index
    %get3A_7 = vector.load %arg1[%get3A_5, %get3A_6] : memref<1024x128xf32, #tpu.memory_space<vmem>>, vector<1024x128xf32>
    %get3A_8 = arith.constant 0 : index
    %get3A_9 = arith.constant 0 : index
    %get3A_10 = vector.load %arg2[%get3A_8, %get3A_9] : memref<128x128xf32, #tpu.memory_space<vmem>>, vector<128x128xf32>
    %dot_general3A = arith.constant dense<0.000000e+00> : vector<1024x128xf32>
    %dot_general3A_11 = tpu.matmul %get3A_7, %get3A_10, %dot_general3A {dimension_numbers = #tpu.dot_dimension_numbers<[1], [0], [0], [1], [0, 0, 1, 1], [], []>, transpose_lhs_hint = false} : vector<1024x128xf32>, vector<128x128xf32>, vector<1024x128xf32> -> vector<1024x128xf32>
    %broadcast_in_dim3A = vector.shape_cast %rsqrt3A : vector<1024xf32> to vector<1024x1xf32>
    %mul3A = vector.broadcast %broadcast_in_dim3A : vector<1024x1xf32> to vector<1024x128xf32>
    %mul3A_12 = arith.mulf %dot_general3A_11, %mul3A : vector<1024x128xf32>
    %swap3A = arith.constant 0 : index
    %swap3A_13 = arith.constant 0 : index
    %swap3A_14 = vector.load %arg4[%swap3A, %swap3A_13] : memref<1024x128xf32, #tpu.memory_space<vmem>>, vector<1024x128xf32>
    tpu.vector_store %arg4[%swap3A, %swap3A_13], %mul3A_12 {strides = array<i32>} : memref<1024x128xf32, #tpu.memory_space<vmem>>, vector<1024x128xf32>,
    return
  }
  func.func @transform_0(%arg0: i32) -> (i32, i32) {
    %c0_i32 = arith.constant 0 : i32
    %c0_i32_0 = arith.constant 0 : i32
    return %arg0, %c0_i32 : i32, i32
  }
  func.func @transform_1(%arg0: i32) -> (i32, i32) {
    %c0_i32 = arith.constant 0 : i32
    %c0_i32_0 = arith.constant 0 : i32
    %c0_i32_1 = arith.constant 0 : i32
    return %c0_i32, %c0_i32_0 : i32, i32
  }
  func.func @transform_2(%arg0: i32) -> (i32, i32) {
    %c0_i32 = arith.constant 0 : i32
    %c0_i32_0 = arith.constant 0 : i32
    return %c0_i32, %arg0 : i32, i32
  }
  func.func @transform_3(%arg0: i32) -> (i32, i32) {
    %c0_i32 = arith.constant 0 : i32
    %c0_i32_0 = arith.constant 0 : i32
    return %arg0, %c0_i32 : i32, i32
  }
}

</mosaic_0001>

<sc_bundles>
// kernel: kernel.6.cloned.1.call-start
scs
__scs_entry_jumppad:
0x0: {  	(pc) =	sbr.rel $0x88, $3  }
0x1: {  	(tag) =	ssettag $0x0;
	lr =	simm.s32 $0x1  }
0x2: {  	[smem:$0x3F9C] =	sst lr;
	_ =	strace $0xD0000000  }
0x3: {  	_ = 	snop  }
0x4: {  	_ = 	snop  }
0x5: {  	_ = 	snop  }
0x6: {  	_ = 	snop  }
0x7: {  	_ = 	snop  }
__scs_overlays_trampoline_lowered:
0x8: {  	[smem:$0x3FAB] =	sst s0  }
0x9: {  	[smem:$0x3FAC] =	sst s1  }
0xa: {  	[smem:$0x3FAD] =	sst s2  }
0xb: {  	[smem:$0x3FAE] =	sst s3  }
0xc: {  	[smem:$0x3FAF] =	sst s4  }
0xd: {  	[smem:$0x3FB0] =	sst s5  }
0xe: {  	[smem:$0x3FB1] =	sst s6  }
0xf: {  	[smem:$0x3FB2] =	sst s7  }
0x10: {  	[smem:$0x3FB3] =	sst s8  }
0x11: {  	[smem:$0x3FB4] =	sst s9;
	s0 =	simm.s32 @!p0 $0x0  }
0x12: {  	s1 =	sld [smem:$0x3F9A];
	s0 =	simm.s32 @p0 $0x1  }
0x13: {  	[smem:$0x3FB5] =	sst s0;
	s0 =	simm.s32 @!p1 $0x0  }
0x14: {  	s2 =	sld [smem:$0x3F99];
	s0 =	simm.s32 @p1 $0x1  }
0x15: {  	[smem:$0x3FB6] =	sst s0;
	s0 =	simm.s32 @!p2 $0x0  }
0x16: {  	s3 =	sld [smem:$0x3FDB];
	s0 =	simm.s32 @p2 $0x1  }
0x17: {  	s4 =	simm.s32 $0x1BF5;
	[smem:$0x3FB8] =	sst s0  }
0x18: {  	s0 =	sld [smem:$0x3F9B];
	_ =	swait.ge [sflag:s4], $0x0  }
0x19: {  	s7 =	sld [smem:$0x3F9C]  }
0x1a: {  	s8 =	sadd.s32 $0xFFFFE003, lr  }
0x1b: {  	s9 =	sadd.s32 $0xFFFFFEF7, lr;
	s5 =	simm.s32 $0xFFFFFFFF;
	p2 =	slt.u32 s8, $0xFFFFF086  }
0x1c: {  	p1 =	slt.u32 s9, $0xF7A;
	s5 =	simm.s32 @!p2 $0x0  }
0x1d: {  	s5 =	simm.s32 @p1 $0x1;
	p0 =	seq.s32 s7, s2  }
0x1e: {  	s7 =	smul.u32 @!p0 $0xF7A, s2;
	p2 =	seq.s32 @!p0 s5, $0x0  }
0x1f: {  	s9 =	smul.u32 $0xF7A, s1;
	s8 =	simm.s32 @!p0 $0x1BF5;
	p2 =	por !p2, p0  }
0x20: {  	[sflag:s8] =	ssyncset.s32 @!p0 $0xFFFFF086;
	s6 =	sadd.s32 @!p0 s3, s7;
	s7 =	simm.s32 @!p0 $0x108  }
0x21: {  	s3 =	sadd.s32 s3, s9;
	s6 =	sadd.s32 @!p0 $0x88, s6;
	s7 =	simm.s32 @p2 $0x1082  }
0x22: {  	[simem:s7], [sflag:s8] =	dma.local @!p0 [hbm:s6], $0xF7A  }
0x23: {  	s9 =	sor.u32 $0xD0000000, s2;
	s6 =	simm.s32 $0x108;
	_ =	swait.ge @!p0 [sflag:s8], $0x0  }
0x24: {  	s3 =	sadd.s32 $0x88, s3;
	s6 =	simm.s32 @!p1 $0x1082;
	[sflag:s4] =	ssyncset.s32 $0xFFFFF086  }
0x25: {  	[simem:s6], [sflag:s4] =	dma.local [hbm:s3], $0xF7A  }
0x26: {  	[smem:$0x3F9C] =	sst s1;
	(tag) =	ssettag s2;
	_ =	strace s9  }
0x27: {  	s1 =	sld [smem:$0x3FAC]  }
0x28: {  	s2 =	sld [smem:$0x3FAD]  }
0x29: {  	s4 =	sld [smem:$0x3FAF]  }
0x2a: {  	p0 =	seq.s32 s5, $0x0;
	s5 =	sld [smem:$0x3FB0]  }
0x2b: {  	s6 =	sld [smem:$0x3FB1]  }
0x2c: {  	s7 =	sld [smem:$0x3FB2]  }
0x2d: {  	s3 =	simm.s32 $0x108;
	s8 =	sld [smem:$0x3FB3]  }
0x2e: {  	s3 =	simm.s32 @!p0 $0x1082;
	s9 =	sld [smem:$0x3FB4]  }
0x2f: {  	lr =	sadd.s32 s0, s3;
	s0 =	sld [smem:$0x3FAB]  }
0x30: {  	s3 =	sld [smem:$0x3FAE]  }
0x31: {  	[smem:$0x3FB7] =	sst s10  }
0x32: {  	s10 =	sld [smem:$0x3FB5];
	_ =	sdelay $0x3  }
0x33: {  	p0 =	seq.s32 s10, $0x1;
	s10 =	sld [smem:$0x3FB7];
	_ =	sdelay $0x3  }
0x34: {  	[smem:$0x3FB7] =	sst s10  }
0x35: {  	s10 =	sld [smem:$0x3FB6];
	_ =	sdelay $0x3  }
0x36: {  	p1 =	seq.s32 s10, $0x1;
	s10 =	sld [smem:$0x3FB7];
	_ =	sdelay $0x3  }
0x37: {  	[smem:$0x3FB7] =	sst s10  }
0x38: {  	s10 =	sld [smem:$0x3FB8]  }
0x39: {  	_ = 	snop;
	(pc) =	sbr.ind lr, $3  }
0x3a: {  	_ = 	snop  }
0x3b: {  	_ = 	snop  }
0x3c: {  	p2 =	seq.s32 s10, $0x1;
	s10 =	sld [smem:$0x3FB7]  }
0x3d: {  	_ =	shalt  }
0x3e: {  	_ =	shalt  }
0x3f: {  	_ =	shalt  }
0x40: {  	_ =	shalt  }
0x41: {  	_ =	shalt  }
0x42: {  	_ =	shalt  }
0x43: {  	_ =	shalt  }
0x44: {  	_ =	shalt  }
0x45: {  	_ =	shalt  }
0x46: {  	_ =	shalt  }
0x47: {  	_ =	shalt  }
0x48: {  	_ =	shalt  }
0x49: {  	_ =	shalt  }
0x4a: {  	_ =	shalt  }
0x4b: {  	_ =	shalt  }
0x4c: {  	_ =	shalt  }
0x4d: {  	_ =	shalt  }
0x4e: {  	_ =	shalt  }
0x4f: {  	_ =	shalt  }
0x50: {  	_ =	shalt  }
0x51: {  	_ =	shalt  }
0x52: {  	_ =	shalt  }
0x53: {  	_ =	shalt  }
0x54: {  	_ =	shalt  }
0x55: {  	_ =	shalt  }
0x56: {  	_ =	shalt  }
0x57: {  	_ =	shalt  }
0x58: {  	_ =	shalt  }
0x59: {  	_ =	shalt  }
0x5a: {  	_ =	shalt  }
0x5b: {  	_ =	shalt  }
0x5c: {  	_ =	shalt  }
0x5d: {  	_ =	shalt  }
0x5e: {  	_ =	shalt  }
0x5f: {  	_ =	shalt  }
0x60: {  	_ =	shalt  }
0x61: {  	_ =	shalt  }
0x62: {  	_ =	shalt  }
0x63: {  	_ =	shalt  }
0x64: {  	_ =	shalt  }
0x65: {  	_ =	shalt  }
0x66: {  	_ =	shalt  }
0x67: {  	_ =	shalt  }
0x68: {  	_ =	shalt  }
0x69: {  	_ =	shalt  }
0x6a: {  	_ =	shalt  }
0x6b: {  	_ =	shalt  }
0x6c: {  	_ =	shalt  }
0x6d: {  	_ =	shalt  }
0x6e: {  	_ =	shalt  }
0x6f: {  	_ =	shalt  }
0x70: {  	_ =	shalt  }
0x71: {  	_ =	shalt  }
0x72: {  	_ =	shalt  }
0x73: {  	_ =	shalt  }
0x74: {  	_ =	shalt  }
0x75: {  	_ =	shalt  }
0x76: {  	_ =	shalt  }
0x77: {  	_ =	shalt  }
0x78: {  	_ =	shalt  }
0x79: {  	_ =	shalt  }
0x7a: {  	_ =	shalt  }
0x7b: {  	_ =	shalt  }
0x7c: {  	_ =	shalt  }
0x7d: {  	_ =	shalt  }
0x7e: {  	_ =	shalt  }
0x7f: {  	_ =	shalt  }
0x80: {  	_ =	shalt  }
0x81: {  	_ =	shalt  }
0x82: {  	_ =	shalt  }
0x83: {  	_ =	shalt  }
0x84: {  	_ =	shalt  }
0x85: {  	_ =	shalt  }
0x86: {  	_ =	shalt  }
0x87: {  	_ =	shalt  }
.Lfunc_end0:
.L_simem_size_0:
called_computation_lowered:
.L_overlay_start_0:
0x88: {  	s2 =	sld [smem:$0x3FD9]  }
0x89: {  	s3 =	sld [smem:$0x3FFE];
	_ =	sdelay $0x1  }
0x8a: {  	s1 =	srdreg.scid  }
0x8b: {  	s0 =	sand.u32 $0x1, s1  }
0x8c: {  	s17 =	sshll.u32 s0, $0xA;
	s2 =	sadd.s32 s3, s2  }
0x8d: {  	s2 =	sadd.s32 s2, s17  }
0x8e: {  	[smem:$0x3FC3] =	sst s2  }
0x8f: {  	_ = 	snop  }
0x90: {  	s2 =	sld [smem:$0x3FD0];
	(tm) =	ssettm $0x1  }
0x91: {  	s18 =	sld [smem:$0x3FFB];
	_ =	sdelay $0x3  }
0x92: {  	_ =	strace s18  }
0x93: {  	s3 =	sld [smem:$0x3FFC];
	_ =	sdelay $0x3  }
0x94: {  	_ =	strace s3  }
0x95: {  	s3 =	sld [smem:$0x3FFD];
	_ =	sdelay $0x3  }
0x96: {  	_ =	strace s3  }
0x97: {  	_ =	strace $0x8FFFFFFF  }
0x98: {  	s19 =	sld [smem:$0x3FDB];
	_ =	sdelay $0x1  }
0x99: {  	s4 =	simm.s32 $_scs_section_size  }
0x9a: {  	s5 =	simm.s32 $_size__tile_overlayer_lowered;
	s6 =	simm.s32 $_tile_overlayer_lowered  }
0x9b: {  	s22 =	simm.s32 $0x1BFF;
	s21 =	sshll.u32 s6, $0x1;
	s3 =	sadd.s32 s4, s19  }
0x9c: {  	s7 =	simm.s32 $0x0;
	s20 =	sshll.u32 s5, $0x1;
	s5 =	sadd.s32 s21, s3  }
0x9d: {  	[timem:s7], [sflag:s22] =	dma.local [hbm:s5], s20  }
0x9e: {  	_ =	swait.ge [sflag:s22], s20  }
0x9f: {  	s4 =	ssub.s32 $0x0, s20;
	[sflag:s22] =	ssyncset.done $0x0  }
0xa0: {  	[sflag:s22] =	ssyncadd.s32 s4;
	_ =	sdelay $0x1  }
0xa1: {  	s23 =	simm.s32 $0x1B8B  }
0xa2: {  	_ =	swait.ge [sflag:s23], $0x1  }
0xa3: {  	[sflag:s23] =	ssyncset.done $0x0  }
0xa4: {  	s25 =	simm.s32 $0x1B8E;
	s24 =	sld [smem:$0x3FFE];
	[sflag:s23] =	ssyncadd.s32 $0xFFFFFFFF  }
0xa5: {  	s26 =	simm.s32 $execute0_lowered;
	[smem:$0x3FD2] =	sst s25  }
0xa6: {  	s5 =	sshll.u32 s26, $0x1;
	_ =	strace $0x80000046;
	[dreg:$0x1] =	wrdreg $0xFFFFFFFF  }
0xa7: {  	s28 =	simm.s32 $_size_execute0_lowered;
	s3 =	sadd.s32 s3, s5;
	[dreg:$0x0] =	wrdreg $0x0  }
0xa8: {  	s5 =	sshll.u32 s28, $0x1;
	[dreg:$0x2] =	wrdreg s3  }
0xa9: {  	[dreg:$0x3] =	wrdreg s5  }
0xaa: {  	[dreg:$0x4] =	wrdreg $0xC0  }
0xab: {  	_ =	task [dreg:s7], $0x5FFFF  }
0xac: {  	[dreg:$0x1] =	wrdreg $0xFFFFFFFF  }
0xad: {  	[dreg:$0x0] =	wrdreg $0x60  }
0xae: {  	[dreg:$0x2] =	wrdreg s24  }
0xaf: {  	[dreg:$0x3] =	wrdreg s2  }
0xb0: {  	[dreg:$0x4] =	wrdreg $0x9  }
0xb1: {  	_ =	task.clear_ibuf [dreg:s7], $0x5FFFF;
	_ =	strace $0x90000046  }
0xb2: {  	s29 =	simm.s32 $0x9;
	_ =	strace $0x80000048  }
0xb3: {  	_ =	swait.ge [sflag:s29], $0x1  }
0xb4: {  	[sflag:s29] =	ssyncadd.s32 $0xFFFFFFFF  }
0xb5: {  	_ =	strace $0x90000048  }
0xb6: {  	_ =	sfence  }
0xb7: {  	s30 =	sld [smem:$0x0];
	_ =	sdelay $0x2  }
0xb8: {  	s31 =	sshll.u32 s1, $0xD;
	s1 =	sshrl.u32 s1, $0x2  }
0xb9: {  	s3 =	sand.u32 $0x4000, s31;
	s1 =	sadd.s32 s1, s30  }
0xba: {  	s0 =	sor.u32 s3, s0;
	s1 =	sshll.u32 s1, $0x11  }
0xbb: {  	s0 =	sor.u32 s1, s0  }
0xbc: {  	s0 =	sadd.s32 $0x8F2B, s0  }
0xbd: {  	[sflag:s0] =	ssyncadd.remote.s32 $0x1  }
0xbe: {  	_ =	sfence.sel $0xFFFF  }
0xbf: {  	[dreg:$0x0] =	wrdreg $0xFFFFFFFF;
	(pc) =	sbr.abs _section_cstart, $3  }
0xc0: {  	[dreg:$0x1] =	wrdreg $0xFFFFFFFF  }
0xc1: {  	_ =	task.clear_ibuf [dreg:s7], $0x2FFFF;
	_ =	strace $0x9FFFFFFF  }
0xc2: {  	(tm) =	ssettm $0x7FFFFFFF  }
0xc3: {  	_ =	shalt  }
tec
execute0_lowered:
.L_overlay_start_1:
0x0: {  	(tag) =	ssettag $0x1  }
0x1: {  	s3 =	rddreg [dreg:$0x0];
	s1 =	srdreg.scid  }
0x2: {  	s0 =	stileid.u32;
	s4 =	rddreg [dreg:$0x1];
	s9 =	simm.s32 $0x400  }
0x3: {  	s5 =	sand.u32 $0x1, s1;
	s2 =	sshll.u32 s0, $0x1;
	s8 =	sshrl.u32 s0, $0x2  }
0x4: {  	s1 =	rddreg [dreg:$0x2];
	s6 =	sor.u32 s5, s2;
	s8 =	smul.u32 $0x13C00, s8  }
0x5: {  	s2 =	simm.s32 $0x0;
	s5 =	ssub.s32 $0x2, s5;
	s7 =	smul.u32 $0x4E2, s6  }
0x6: {  	[smem:$0x7FF] =	sst s2;
	s6 =	sshll.u32 s6, $0x7;
	s31 =	sshrl.u32 s5, $0x1  }
0x7: {  	_ =	strace $0x80000047;
	s6 =	sand.u32 $0x380, s6;
	s5 =	ssub.s32 s5, s31  }
0x8: {  	s3 =	sadd.s32 s7, s3;
	s6 =	sor.u32 s8, s6;
	s5 =	smax.u32 s5, $0x1  }
0x9: {  	s7 =	simm.s32 $0x2780;
	s8 =	simm.s32 $0x80;
	s6 =	sshrl.u32 s6, $0x3  }
0xa: {  	v0 =	vimm.f32 $0.0e+00;
	v1 =	vimm.f32 $1.000000000e+00;
	s3 =	sadd.s32 $0x1A00, s3;
	s4 =	sadd.s32 s4, s6;
	s6 =	simm.s32 $0x1  }
.LBB2_1:
0xb: {  	s10 =	simm.s32 $0x40;
	s11 =	simm.s32 $0x0  }
.LBB2_2:
0xc: {  	p0 =	sne.s32 s10, $0x9DC0;
	[tilespmem:s11+$0x2780] =	vst v0;
	s11 =	smov.u32 s10;
	s10 =	sadd.s32 $0x40, s10  }
.Ltmp0:
0xd: {  	(pc) =	sbr.rel @p0 .LBB2_2-.Ltmp0, $2  }
0xe: {  	_ =	sdelay $0x2  }
0xf: {  	s11 =	sshra.s32 s11, $0x2  }
0x10: {  	[tilespmem:s11+$0x2780] =	vst v0;
	s10 =	simm.s32 $0x0  }
0x11: {  	[tilespmem:s10], [sflag:$0x1] =	stream.linear.gather [hbm4b:s3+s10], $0x2710, $0x38;
	[tilespmem:$0x4F00] =	vst v63  }
0x12: {  	_ =	swait.ge [sflag:s6], $0x2710  }
0x13: {  	[sflag:s6] =	ssyncset.done $0x0  }
0x14: {  	s11 =	simm.s32 $0x0;
	s10 =	simm.s32 $0x40;
	[sflag:s6] =	ssyncadd.s32 $0xFFFFD8F0  }
.LBB2_4:
0x15: {  	p0 =	sne.s32 s10, $0x9C00;
	v2 =	vld [tilespmem:s11+$0x0];
	_ =	sdelay $0x3  }
.Ltmp1:
0x16: {  	(pc) =	sbr.rel @p0 .LBB2_4-.Ltmp1, $2  }
0x17: {  	_ =	sdelay $0x2  }
0x18: {  	s11 =	sshra.s32 s10, $0x2;
	s10 =	sadd.s32 $0x40, s10;
	[tilespmem:v2+s7+$0x0] =	vst.idx.add.f32.msk $0xffff, v1  }
0x19: {  	v2 =	vld [tilespmem:s11+$0x0];
	_ =	sdelay $0x5  }
0x1a: {  	s2 =	sadd.s32 $0x1, s2  }
0x1b: {  	p0 =	sne.s32 s2, s5  }
.Ltmp2:
0x1c: {  	[tilespmem:v2+s7+$0x0] =	vst.idx.add.f32.msk $0xffff, v1;
	(pc) =	sbr.rel @p0 .LBB2_1-.Ltmp2, $4  }
0x1d: {  	[hbm4b:s4+s8] =	stream.strided.scatter [tilespmem:s7], [sflag:$0x1], $0x2780, s9, s8, $0x38;
	[tilespmem:$0x4F00] =	vst v63  }
0x1e: {  	_ =	swait.ge [sflag:s6], $0x2780  }
0x1f: {  	[sflag:s6] =	ssyncset.done $0x0  }
0x20: {  	[sflag:s6] =	ssyncadd.s32 $0xFFFFD880  }
0x21: {  	_ =	sfence.sel $0x180000  }
0x22: {  	[bflag:$0x0] =	sbarrier.arrive $0xFFFF  }
0x23: {  	p0 =	sne.s32 s0, $0x0;
	_ =	strace $0x90000047  }
0x24: {  	s0 =	sadd.s32 @!p0 $0x100000, s1;
	[bflag:$0x2] =	sbarrier.arrive $0xFFFF  }
0x25: {  	[sflag:s0] =	ssyncadd.tile.s32 @!p0 $0x1;
	_ =	shalt  }
.Lfunc_end2:
_tile_overlayer_lowered:
.L_overlay_start_2:
0x26: {  	(tag) =	ssettag $0x2  }
0x27: {  	s0 =	rddreg [dreg:$0x0];
	s2 =	stileid.u32  }
0x28: {  	s1 =	rddreg [dreg:$0x1];
	p0 =	sne.s32 s2, $0x0  }
0x29: {  	s3 =	rddreg [dreg:$0x2];
	[bflag:$0x3] =	sbarrier.arrive $0xFFFF;
	s2 =	simm.s32 @!p0 $0x1C01  }
0x2a: {  	[timem:s3], [sflag:s2] =	dma.local @!p0 [hbm:s0], s1  }
0x2b: {  	s0 =	simm.s32 @!p0 $0x1  }
0x2c: {  	_ =	swait.ge @!p0 [sflag:s0], s1  }
0x2d: {  	s1 =	ssub.s32 @!p0 $0x0, s1;
	[sflag:s0] =	ssyncset.done @!p0 $0x0  }
0x2e: {  	[sflag:s0] =	ssyncadd.s32 @!p0 s1  }
0x2f: {  	[bflag:$0x3] =	sbarrier.arrive $0xFFFF  }
0x30: {  	_ =	shalt  }

// kernel: kernel.9.cloned.1.call-start
scs
__scs_entry_jumppad:
0x0: {  	(pc) =	sbr.rel $0x88, $3  }
0x1: {  	(tag) =	ssettag $0x0;
	lr =	simm.s32 $0x1  }
0x2: {  	[smem:$0x3F9C] =	sst lr;
	_ =	strace $0xD0000000  }
0x3: {  	_ = 	snop  }
0x4: {  	_ = 	snop  }
0x5: {  	_ = 	snop  }
0x6: {  	_ = 	snop  }
0x7: {  	_ = 	snop  }
__scs_overlays_trampoline_lowered:
0x8: {  	[smem:$0x3FAB] =	sst s0  }
0x9: {  	[smem:$0x3FAC] =	sst s1  }
0xa: {  	[smem:$0x3FAD] =	sst s2  }
0xb: {  	[smem:$0x3FAE] =	sst s3  }
0xc: {  	[smem:$0x3FAF] =	sst s4  }
0xd: {  	[smem:$0x3FB0] =	sst s5  }
0xe: {  	[smem:$0x3FB1] =	sst s6  }
0xf: {  	[smem:$0x3FB2] =	sst s7  }
0x10: {  	[smem:$0x3FB3] =	sst s8  }
0x11: {  	[smem:$0x3FB4] =	sst s9;
	s0 =	simm.s32 @!p0 $0x0  }
0x12: {  	s1 =	sld [smem:$0x3F9A];
	s0 =	simm.s32 @p0 $0x1  }
0x13: {  	[smem:$0x3FB5] =	sst s0;
	s0 =	simm.s32 @!p1 $0x0  }
0x14: {  	s2 =	sld [smem:$0x3F99];
	s0 =	simm.s32 @p1 $0x1  }
0x15: {  	[smem:$0x3FB6] =	sst s0;
	s0 =	simm.s32 @!p2 $0x0  }
0x16: {  	s3 =	sld [smem:$0x3FDB];
	s0 =	simm.s32 @p2 $0x1  }
0x17: {  	s4 =	simm.s32 $0x1BF5;
	[smem:$0x3FB8] =	sst s0  }
0x18: {  	s0 =	sld [smem:$0x3F9B];
	_ =	swait.ge [sflag:s4], $0x0  }
0x19: {  	s7 =	sld [smem:$0x3F9C]  }
0x1a: {  	s8 =	sadd.s32 $0xFFFFE003, lr  }
0x1b: {  	s9 =	sadd.s32 $0xFFFFFEF7, lr;
	s5 =	simm.s32 $0xFFFFFFFF;
	p2 =	slt.u32 s8, $0xFFFFF086  }
0x1c: {  	p1 =	slt.u32 s9, $0xF7A;
	s5 =	simm.s32 @!p2 $0x0  }
0x1d: {  	s5 =	simm.s32 @p1 $0x1;
	p0 =	seq.s32 s7, s2  }
0x1e: {  	s7 =	smul.u32 @!p0 $0xF7A, s2;
	p2 =	seq.s32 @!p0 s5, $0x0  }
0x1f: {  	s9 =	smul.u32 $0xF7A, s1;
	s8 =	simm.s32 @!p0 $0x1BF5;
	p2 =	por !p2, p0  }
0x20: {  	[sflag:s8] =	ssyncset.s32 @!p0 $0xFFFFF086;
	s6 =	sadd.s32 @!p0 s3, s7;
	s7 =	simm.s32 @!p0 $0x108  }
0x21: {  	s3 =	sadd.s32 s3, s9;
	s6 =	sadd.s32 @!p0 $0x88, s6;
	s7 =	simm.s32 @p2 $0x1082  }
0x22: {  	[simem:s7], [sflag:s8] =	dma.local @!p0 [hbm:s6], $0xF7A  }
0x23: {  	s9 =	sor.u32 $0xD0000000, s2;
	s6 =	simm.s32 $0x108;
	_ =	swait.ge @!p0 [sflag:s8], $0x0  }
0x24: {  	s3 =	sadd.s32 $0x88, s3;
	s6 =	simm.s32 @!p1 $0x1082;
	[sflag:s4] =	ssyncset.s32 $0xFFFFF086  }
0x25: {  	[simem:s6], [sflag:s4] =	dma.local [hbm:s3], $0xF7A  }
0x26: {  	[smem:$0x3F9C] =	sst s1;
	(tag) =	ssettag s2;
	_ =	strace s9  }
0x27: {  	s1 =	sld [smem:$0x3FAC]  }
0x28: {  	s2 =	sld [smem:$0x3FAD]  }
0x29: {  	s4 =	sld [smem:$0x3FAF]  }
0x2a: {  	p0 =	seq.s32 s5, $0x0;
	s5 =	sld [smem:$0x3FB0]  }
0x2b: {  	s6 =	sld [smem:$0x3FB1]  }
0x2c: {  	s7 =	sld [smem:$0x3FB2]  }
0x2d: {  	s3 =	simm.s32 $0x108;
	s8 =	sld [smem:$0x3FB3]  }
0x2e: {  	s3 =	simm.s32 @!p0 $0x1082;
	s9 =	sld [smem:$0x3FB4]  }
0x2f: {  	lr =	sadd.s32 s0, s3;
	s0 =	sld [smem:$0x3FAB]  }
0x30: {  	s3 =	sld [smem:$0x3FAE]  }
0x31: {  	[smem:$0x3FB7] =	sst s10  }
0x32: {  	s10 =	sld [smem:$0x3FB5];
	_ =	sdelay $0x3  }
0x33: {  	p0 =	seq.s32 s10, $0x1;
	s10 =	sld [smem:$0x3FB7];
	_ =	sdelay $0x3  }
0x34: {  	[smem:$0x3FB7] =	sst s10  }
0x35: {  	s10 =	sld [smem:$0x3FB6];
	_ =	sdelay $0x3  }
0x36: {  	p1 =	seq.s32 s10, $0x1;
	s10 =	sld [smem:$0x3FB7];
	_ =	sdelay $0x3  }
0x37: {  	[smem:$0x3FB7] =	sst s10  }
0x38: {  	s10 =	sld [smem:$0x3FB8]  }
0x39: {  	_ = 	snop;
	(pc) =	sbr.ind lr, $3  }
0x3a: {  	_ = 	snop  }
0x3b: {  	_ = 	snop  }
0x3c: {  	p2 =	seq.s32 s10, $0x1;
	s10 =	sld [smem:$0x3FB7]  }
0x3d: {  	_ =	shalt  }
0x3e: {  	_ =	shalt  }
0x3f: {  	_ =	shalt  }
0x40: {  	_ =	shalt  }
0x41: {  	_ =	shalt  }
0x42: {  	_ =	shalt  }
0x43: {  	_ =	shalt  }
0x44: {  	_ =	shalt  }
0x45: {  	_ =	shalt  }
0x46: {  	_ =	shalt  }
0x47: {  	_ =	shalt  }
0x48: {  	_ =	shalt  }
0x49: {  	_ =	shalt  }
0x4a: {  	_ =	shalt  }
0x4b: {  	_ =	shalt  }
0x4c: {  	_ =	shalt  }
0x4d: {  	_ =	shalt  }
0x4e: {  	_ =	shalt  }
0x4f: {  	_ =	shalt  }
0x50: {  	_ =	shalt  }
0x51: {  	_ =	shalt  }
0x52: {  	_ =	shalt  }
0x53: {  	_ =	shalt  }
0x54: {  	_ =	shalt  }
0x55: {  	_ =	shalt  }
0x56: {  	_ =	shalt  }
0x57: {  	_ =	shalt  }
0x58: {  	_ =	shalt  }
0x59: {  	_ =	shalt  }
0x5a: {  	_ =	shalt  }
0x5b: {  	_ =	shalt  }
0x5c: {  	_ =	shalt  }
0x5d: {  	_ =	shalt  }
0x5e: {  	_ =	shalt  }
0x5f: {  	_ =	shalt  }
0x60: {  	_ =	shalt  }
0x61: {  	_ =	shalt  }
0x62: {  	_ =	shalt  }
0x63: {  	_ =	shalt  }
0x64: {  	_ =	shalt  }
0x65: {  	_ =	shalt  }
0x66: {  	_ =	shalt  }
0x67: {  	_ =	shalt  }
0x68: {  	_ =	shalt  }
0x69: {  	_ =	shalt  }
0x6a: {  	_ =	shalt  }
0x6b: {  	_ =	shalt  }
0x6c: {  	_ =	shalt  }
0x6d: {  	_ =	shalt  }
0x6e: {  	_ =	shalt  }
0x6f: {  	_ =	shalt  }
0x70: {  	_ =	shalt  }
0x71: {  	_ =	shalt  }
0x72: {  	_ =	shalt  }
0x73: {  	_ =	shalt  }
0x74: {  	_ =	shalt  }
0x75: {  	_ =	shalt  }
0x76: {  	_ =	shalt  }
0x77: {  	_ =	shalt  }
0x78: {  	_ =	shalt  }
0x79: {  	_ =	shalt  }
0x7a: {  	_ =	shalt  }
0x7b: {  	_ =	shalt  }
0x7c: {  	_ =	shalt  }
0x7d: {  	_ =	shalt  }
0x7e: {  	_ =	shalt  }
0x7f: {  	_ =	shalt  }
0x80: {  	_ =	shalt  }
0x81: {  	_ =	shalt  }
0x82: {  	_ =	shalt  }
0x83: {  	_ =	shalt  }
0x84: {  	_ =	shalt  }
0x85: {  	_ =	shalt  }
0x86: {  	_ =	shalt  }
0x87: {  	_ =	shalt  }
.Lfunc_end0:
.L_simem_size_0:
called_computation.1_lowered:
.L_overlay_start_0:
0x88: {  	s2 =	sld [smem:$0x3FD9]  }
0x89: {  	s3 =	sld [smem:$0x3FFE];
	_ =	sdelay $0x1  }
0x8a: {  	s1 =	srdreg.scid  }
0x8b: {  	s0 =	sand.u32 $0x1, s1  }
0x8c: {  	s17 =	sshll.u32 s0, $0xA;
	s2 =	sadd.s32 s3, s2  }
0x8d: {  	s2 =	sadd.s32 s2, s17  }
0x8e: {  	[smem:$0x3FC3] =	sst s2  }
0x8f: {  	_ = 	snop  }
0x90: {  	s2 =	sld [smem:$0x3FD0];
	(tm) =	ssettm $0x1  }
0x91: {  	s18 =	sld [smem:$0x3FFB];
	_ =	sdelay $0x3  }
0x92: {  	_ =	strace s18  }
0x93: {  	s3 =	sld [smem:$0x3FFC];
	_ =	sdelay $0x3  }
0x94: {  	_ =	strace s3  }
0x95: {  	s3 =	sld [smem:$0x3FFD];
	_ =	sdelay $0x3  }
0x96: {  	_ =	strace s3  }
0x97: {  	_ =	strace $0x8FFFFFFF  }
0x98: {  	s19 =	sld [smem:$0x3FDB];
	_ =	sdelay $0x1  }
0x99: {  	s4 =	simm.s32 $_scs_section_size  }
0x9a: {  	s5 =	simm.s32 $_size__tile_overlayer_lowered;
	s6 =	simm.s32 $_tile_overlayer_lowered  }
0x9b: {  	s22 =	simm.s32 $0x1BFF;
	s21 =	sshll.u32 s6, $0x1;
	s3 =	sadd.s32 s4, s19  }
0x9c: {  	s7 =	simm.s32 $0x0;
	s20 =	sshll.u32 s5, $0x1;
	s5 =	sadd.s32 s21, s3  }
0x9d: {  	[timem:s7], [sflag:s22] =	dma.local [hbm:s5], s20  }
0x9e: {  	_ =	swait.ge [sflag:s22], s20  }
0x9f: {  	s4 =	ssub.s32 $0x0, s20;
	[sflag:s22] =	ssyncset.done $0x0  }
0xa0: {  	[sflag:s22] =	ssyncadd.s32 s4;
	_ =	sdelay $0x1  }
0xa1: {  	s23 =	simm.s32 $0x1B8B  }
0xa2: {  	_ =	swait.ge [sflag:s23], $0x1  }
0xa3: {  	[sflag:s23] =	ssyncset.done $0x0  }
0xa4: {  	s25 =	simm.s32 $0x1B8E;
	s24 =	sld [smem:$0x3FFE];
	[sflag:s23] =	ssyncadd.s32 $0xFFFFFFFF  }
0xa5: {  	s26 =	simm.s32 $execute0_lowered;
	[smem:$0x3FD2] =	sst s25  }
0xa6: {  	s5 =	sshll.u32 s26, $0x1;
	_ =	strace $0x80000049;
	[dreg:$0x1] =	wrdreg $0xFFFFFFFF  }
0xa7: {  	s28 =	simm.s32 $_size_execute0_lowered;
	s3 =	sadd.s32 s3, s5;
	[dreg:$0x0] =	wrdreg $0x0  }
0xa8: {  	s5 =	sshll.u32 s28, $0x1;
	[dreg:$0x2] =	wrdreg s3  }
0xa9: {  	[dreg:$0x3] =	wrdreg s5  }
0xaa: {  	[dreg:$0x4] =	wrdreg $0xC0  }
0xab: {  	_ =	task [dreg:s7], $0x5FFFF  }
0xac: {  	[dreg:$0x1] =	wrdreg $0xFFFFFFFF  }
0xad: {  	[dreg:$0x0] =	wrdreg $0x60  }
0xae: {  	[dreg:$0x2] =	wrdreg s2  }
0xaf: {  	[dreg:$0x3] =	wrdreg s24  }
0xb0: {  	[dreg:$0x4] =	wrdreg $0xA8000  }
0xb1: {  	[dreg:$0x5] =	wrdreg $0x9  }
0xb2: {  	_ =	task.clear_ibuf [dreg:s7], $0x6FFFF;
	_ =	strace $0x90000049  }
0xb3: {  	s29 =	simm.s32 $0x9;
	_ =	strace $0x8000004B  }
0xb4: {  	_ =	swait.ge [sflag:s29], $0x1  }
0xb5: {  	[sflag:s29] =	ssyncadd.s32 $0xFFFFFFFF  }
0xb6: {  	_ =	strace $0x9000004B  }
0xb7: {  	_ =	sfence  }
0xb8: {  	s30 =	sld [smem:$0x0];
	_ =	sdelay $0x2  }
0xb9: {  	s31 =	sshll.u32 s1, $0xD;
	s1 =	sshrl.u32 s1, $0x2  }
0xba: {  	s3 =	sand.u32 $0x4000, s31;
	s1 =	sadd.s32 s1, s30  }
0xbb: {  	s0 =	sor.u32 s3, s0;
	s1 =	sshll.u32 s1, $0x11  }
0xbc: {  	s0 =	sor.u32 s1, s0  }
0xbd: {  	s0 =	sadd.s32 $0x8F2B, s0  }
0xbe: {  	[sflag:s0] =	ssyncadd.remote.s32 $0x1  }
0xbf: {  	_ =	sfence.sel $0xFFFF  }
0xc0: {  	[dreg:$0x0] =	wrdreg $0xFFFFFFFF;
	(pc) =	sbr.abs _section_cstart, $3  }
0xc1: {  	[dreg:$0x1] =	wrdreg $0xFFFFFFFF  }
0xc2: {  	_ =	task.clear_ibuf [dreg:s7], $0x2FFFF;
	_ =	strace $0x9FFFFFFF  }
0xc3: {  	(tm) =	ssettm $0x7FFFFFFF  }
tec
execute0_lowered:
.L_overlay_start_1:
0x0: {  	(tag) =	ssettag $0x1  }
0x1: {  	s0 =	rddreg [dreg:$0x0]  }
0x2: {  	s5 =	rddreg [dreg:$0x1]  }
0x3: {  	s1 =	srdreg.scid;
	s3 =	rddreg [dreg:$0x2]  }
0x4: {  	s2 =	stileid.u32;
	s4 =	simm.s32 $0x0;
	s17 =	simm.s32 $0x5  }
0x5: {  	s18 =	simm.s32 $0x6800;
	s19 =	simm.s32 $0x1400;
	s20 =	simm.s32 $0x80  }
0x6: {  	s21 =	simm.s32 $0x1;
	s22 =	simm.s32 $0x3;
	s23 =	simm.s32 $0x2  }
0x7: {  	s24 =	simm.s32 $0x4;
	s6 =	sand.u32 $0x1, s1;
	s1 =	rddreg [dreg:$0x3]  }
0x8: {  	s25 =	simm.s32 $0x2700;
	s8 =	smul.u32 $0x13C00, s2;
	[smem:$0x7FF] =	sst s4  }
0x9: {  	s12 =	sadd.s32 $0xB800, s5;
	s26 =	smul.u32 $0x4F000, s2;
	s13 =	sadd.s32 $0x15800, s5  }
0xa: {  	s28 =	sshll.u32 s2, $0x1;
	s7 =	smul.u32 $0x13C000, s6;
	_ =	strace $0x8000004A  }
0xb: {  	s29 =	ssub.s32 $0x2, s6;
	s6 =	sor.u32 s6, s28;
	s30 =	sshrl.u32 s26, $0x2  }
0xc: {  	s31 =	sshrl.u32 s29, $0x1;
	s10 =	smul.u32 $0x2800, s6;
	s7 =	sadd.s32 s8, s7  }
0xd: {  	s26 =	simm.s32 $0x2780;
	s15 =	ssub.s32 s29, s31;
	s7 =	sshrl.u32 s7, $0x3  }
0xe: {  	s16 =	sshrl.u32 s10, $0x3;
	s15 =	smax.u32 s15, $0x1;
	s14 =	sadd.s32 s7, s5  }
0xf: {  	s5 =	sadd.s32 s30, s3;
	s10 =	sadd.s32 s12, s16;
	s11 =	sadd.s32 s13, s16  }
0x10: {  	s16 =	sadd.s32 $0x280, s16;
	s6 =	sadd.s32 $0x4000, s5;
	s7 =	sadd.s32 $0x8000, s5  }
0x11: {  	s8 =	sadd.s32 $0xC000, s5;
	s9 =	sadd.s32 $0x10000, s5;
	s12 =	sadd.s32 s12, s16  }
0x12: {  	v0 =	vimm.f32 $0.0e+00;
	s13 =	sadd.s32 s13, s16;
	s14 =	sadd.s32 $0x1F800, s14;
	s16 =	simm.s32 $0x2800  }
.LBB2_1:
0x13: {  	s28 =	simm.s32 $0x0;
	s29 =	simm.s32 $0x200  }
.LBB2_2:
0x14: {  	p0 =	sne.s32 s29, $0xFE00;
	[tilespmem:s28+$0x6870] =	vst v0  }
0x15: {  	[tilespmem:s28+$0x2800] =	vst v0  }
0x16: {  	[tilespmem:s28+$0x2810] =	vst v0  }
0x17: {  	[tilespmem:s28+$0x2820] =	vst v0  }
0x18: {  	[tilespmem:s28+$0x2830] =	vst v0  }
0x19: {  	[tilespmem:s28+$0x2840] =	vst v0  }
0x1a: {  	[tilespmem:s28+$0x2850] =	vst v0  }
0x1b: {  	[tilespmem:s28+$0x2860] =	vst v0  }
0x1c: {  	[tilespmem:s28+$0x2870] =	vst v0  }
0x1d: {  	[tilespmem:s28+$0x6800] =	vst v0  }
0x1e: {  	[tilespmem:s28+$0x6810] =	vst v0  }
.Ltmp0:
0x1f: {  	[tilespmem:s28+$0x6820] =	vst v0;
	(pc) =	sbr.rel @p0 .LBB2_2-.Ltmp0, $4  }
0x20: {  	[tilespmem:s28+$0x6830] =	vst v0  }
0x21: {  	[tilespmem:s28+$0x6840] =	vst v0  }
0x22: {  	[tilespmem:s28+$0x6850] =	vst v0  }
0x23: {  	[tilespmem:s28+$0x6860] =	vst v0;
	s28 =	sshra.s32 s29, $0x2;
	s29 =	sadd.s32 $0x200, s29  }
0x24: {  	[tilespmem:s28+$0x6870] =	vst v0  }
0x25: {  	[tilespmem:s28+$0x2800] =	vst v0  }
0x26: {  	[tilespmem:s28+$0x2810] =	vst v0  }
0x27: {  	[tilespmem:s28+$0x2820] =	vst v0  }
0x28: {  	[tilespmem:s28+$0x2830] =	vst v0  }
0x29: {  	[tilespmem:s28+$0x2840] =	vst v0  }
0x2a: {  	[tilespmem:s28+$0x2850] =	vst v0  }
0x2b: {  	[tilespmem:s28+$0x2860] =	vst v0  }
0x2c: {  	[tilespmem:s28+$0x2870] =	vst v0  }
0x2d: {  	[tilespmem:s28+$0x6800] =	vst v0  }
0x2e: {  	[tilespmem:s28+$0x6810] =	vst v0  }
0x2f: {  	[tilespmem:s28+$0x6820] =	vst v0  }
0x30: {  	[tilespmem:s28+$0x6830] =	vst v0  }
0x31: {  	[tilespmem:s28+$0x6840] =	vst v0  }
0x32: {  	[tilespmem:s28+$0x6850] =	vst v0  }
0x33: {  	[tilespmem:s28+$0x6860] =	vst v0  }
0x34: {  	[spmem:s5] =	stream.linear.scatter [tilespmem:s16], [sflag:$0x5], $0x4000, $0x38;
	[tilespmem:$0x1E400] =	vst v63  }
0x35: {  	_ =	swait.ge [sflag:s17], $0x4000  }
0x36: {  	[sflag:s17] =	ssyncset.done $0x0  }
0x37: {  	[sflag:s17] =	ssyncadd.s32 $0xFFFFC000  }
0x38: {  	[spmem:s6] =	stream.linear.scatter [tilespmem:s16], [sflag:$0x5], $0x4000, $0x38;
	[tilespmem:$0x1E400] =	vst v63  }
0x39: {  	_ =	swait.ge [sflag:s17], $0x4000  }
0x3a: {  	[sflag:s17] =	ssyncset.done $0x0  }
0x3b: {  	[sflag:s17] =	ssyncadd.s32 $0xFFFFC000  }
0x3c: {  	[spmem:s7] =	stream.linear.scatter [tilespmem:s16], [sflag:$0x5], $0x4000, $0x38;
	[tilespmem:$0x1E400] =	vst v63  }
0x3d: {  	_ =	swait.ge [sflag:s17], $0x4000  }
0x3e: {  	[sflag:s17] =	ssyncset.done $0x0  }
0x3f: {  	[sflag:s17] =	ssyncadd.s32 $0xFFFFC000  }
0x40: {  	[spmem:s8] =	stream.linear.scatter [tilespmem:s16], [sflag:$0x5], $0x4000, $0x38;
	[tilespmem:$0x1E400] =	vst v63  }
0x41: {  	_ =	swait.ge [sflag:s17], $0x4000  }
0x42: {  	[sflag:s17] =	ssyncset.done $0x0  }
0x43: {  	[sflag:s17] =	ssyncadd.s32 $0xFFFFC000  }
0x44: {  	[spmem:s9] =	stream.linear.scatter [tilespmem:s18], [sflag:$0x5], $0x3C00, $0x38;
	[tilespmem:$0x1E400] =	vst v63  }
0x45: {  	_ =	swait.ge [sflag:s17], $0x3C00  }
0x46: {  	[sflag:s17] =	ssyncset.done $0x0  }
0x47: {  	[sflag:s17] =	ssyncadd.s32 $0xFFFFC400  }
0x48: {  	s28 =	simm.s32 $0x0;
	[bflag:$0x0] =	sbarrier.arrive $0xFFFF  }
0x49: {  	[tilespmem:s28], [sflag:$0x5] =	stream.linear.gather [hbm4b:s10+s28], $0x1400, $0x38;
	[tilespmem:$0x1E400] =	vst v63  }
0x4a: {  	_ =	swait.ge [sflag:s17], $0x1400  }
0x4b: {  	[sflag:s17] =	ssyncset.done $0x0  }
0x4c: {  	[sflag:s17] =	ssyncadd.s32 $0xFFFFEC00  }
0x4d: {  	[tilespmem:s19], [sflag:$0x5] =	stream.linear.gather [hbm4b:s11+s28], $0x1400, $0x38;
	[tilespmem:$0x1E400] =	vst v63  }
0x4e: {  	_ =	swait.ge [sflag:s17], $0x1400  }
0x4f: {  	[sflag:s17] =	ssyncset.done $0x0  }
0x50: {  	[sflag:s17] =	ssyncadd.s32 $0xFFFFEC00  }
0x51: {  	[tilespmem:s16], [sflag:$0x1] =	stream.indirect.gather [hbm4b:s0+s20], $0x80, s28, s20, $0xb8;
	[tilespmem:$0x1E400] =	vst v63  }
0x52: {  	_ = 	snop  }
0x53: {  	[tilespmem:s18], [sflag:$0x2] =	stream.indirect.gather [hbm4b:s0+s20], $0x80, s20, s20, $0xb8;
	[tilespmem:$0x1E400] =	vst v63  }
0x54: {  	_ =	swait.ge [sflag:s21], $0x4000  }
0x55: {  	[sflag:s21] =	ssyncset.done $0x0  }
0x56: {  	s28 =	simm.s32 $0x1400;
	[sflag:s21] =	ssyncadd.s32 $0xFFFFC000  }
0x57: {  	[spmem:s3] =	stream.indirect.scatter.add.f32 [tilespmem:s16], [sflag:$0x3], $0x80, s28, s20, $0xb8;
	[tilespmem:$0x1E400] =	vst v63  }
0x58: {  	_ =	swait.ge [sflag:s22], $0x4000  }
0x59: {  	[sflag:s22] =	ssyncset.done $0x0  }
0x5a: {  	s28 =	simm.s32 $0x100;
	[sflag:s22] =	ssyncadd.s32 $0xFFFFC000  }
0x5b: {  	[tilespmem:s16], [sflag:$0x1] =	stream.indirect.gather [hbm4b:s0+s20], $0x80, s28, s20, $0xb8;
	[tilespmem:$0x1E400] =	vst v63  }
0x5c: {  	_ =	swait.ge [sflag:s23], $0x4000  }
0x5d: {  	[sflag:s23] =	ssyncset.done $0x0  }
0x5e: {  	s28 =	simm.s32 $0x1480;
	[sflag:s23] =	ssyncadd.s32 $0xFFFFC000  }
0x5f: {  	[spmem:s3] =	stream.indirect.scatter.add.f32 [tilespmem:s18], [sflag:$0x4], $0x80, s28, s20, $0xb8;
	[tilespmem:$0x1E400] =	vst v63  }
0x60: {  	_ =	swait.ge [sflag:s24], $0x4000  }
0x61: {  	[sflag:s24] =	ssyncset.done $0x0  }
0x62: {  	s29 =	simm.s32 $0x180;
	s28 =	simm.s32 $0x400;
	[sflag:s24] =	ssyncadd.s32 $0xFFFFC000  }
.LBB2_4:
0x63: {  	[tilespmem:s18], [sflag:$0x2] =	stream.indirect.gather [hbm4b:s0+s20], $0x80, s29, s20, $0xb8;
	[tilespmem:$0x1E400] =	vst v63  }
0x64: {  	s29 =	smov.u32 s28  }
0x65: {  	p0 =	sne.s32 s28, $0x4800;
	s28 =	sadd.s32 $0x400, s28;
	_ =	swait.ge [sflag:s21], $0x4000  }
0x66: {  	s29 =	sshra.s32 s29, $0x2;
	[sflag:s21] =	ssyncset.done $0x0  }
0x67: {  	s30 =	sadd.s32 $0x1400, s29;
	[sflag:s21] =	ssyncadd.s32 $0xFFFFC000  }
0x68: {  	[spmem:s3] =	stream.indirect.scatter.add.f32 [tilespmem:s16], [sflag:$0x3], $0x80, s30, s20, $0xb8;
	[tilespmem:$0x1E400] =	vst v63  }
0x69: {  	_ =	swait.ge [sflag:s22], $0x4000  }
0x6a: {  	[sflag:s22] =	ssyncset.done $0x0  }
0x6b: {  	s30 =	sadd.s32 $0x100, s29;
	[sflag:s22] =	ssyncadd.s32 $0xFFFFC000  }
0x6c: {  	[tilespmem:s16], [sflag:$0x1] =	stream.indirect.gather [hbm4b:s0+s20], $0x80, s30, s20, $0xb8;
	[tilespmem:$0x1E400] =	vst v63  }
0x6d: {  	_ =	swait.ge [sflag:s23], $0x4000  }
0x6e: {  	[sflag:s23] =	ssyncset.done $0x0  }
.Ltmp1:
0x6f: {  	s30 =	sadd.s32 $0x1480, s29;
	[sflag:s23] =	ssyncadd.s32 $0xFFFFC000;
	(pc) =	sbr.rel @p0 .LBB2_4-.Ltmp1, $4  }
0x70: {  	[spmem:s3] =	stream.indirect.scatter.add.f32 [tilespmem:s18], [sflag:$0x4], $0x80, s30, s20, $0xb8;
	[tilespmem:$0x1E400] =	vst v63  }
0x71: {  	_ =	swait.ge [sflag:s24], $0x4000  }
0x72: {  	[sflag:s24] =	ssyncset.done $0x0  }
0x73: {  	s29 =	sadd.s32 $0x180, s29;
	[sflag:s24] =	ssyncadd.s32 $0xFFFFC000  }
0x74: {  	[tilespmem:s18], [sflag:$0x2] =	stream.indirect.gather [hbm4b:s0+s20], $0x80, s29, s20, $0xb8;
	[tilespmem:$0x1E400] =	vst v63  }
0x75: {  	_ =	swait.ge [sflag:s21], $0x4000  }
0x76: {  	[sflag:s21] =	ssyncset.done $0x0  }
0x77: {  	[sflag:s21] =	ssyncadd.s32 $0xFFFFC000  }
0x78: {  	[spmem:s3] =	stream.indirect.scatter.add.f32 [tilespmem:s16], [sflag:$0x3], $0x80, s25, s20, $0xb8;
	[tilespmem:$0x1E400] =	vst v63  }
0x79: {  	_ =	swait.ge [sflag:s23], $0x4000  }
0x7a: {  	[sflag:s23] =	ssyncset.done $0x0  }
0x7b: {  	[sflag:s23] =	ssyncadd.s32 $0xFFFFC000  }
0x7c: {  	[spmem:s3] =	stream.indirect.scatter.add.f32 [tilespmem:s18], [sflag:$0x4], $0x80, s26, s20, $0xb8;
	[tilespmem:$0x1E400] =	vst v63  }
0x7d: {  	_ =	swait.ge [sflag:s22], $0x4000  }
0x7e: {  	[sflag:s22] =	ssyncset.done $0x0  }
0x7f: {  	[sflag:s22] =	ssyncadd.s32 $0xFFFFC000  }
0x80: {  	_ =	swait.ge [sflag:s24], $0x4000  }
0x81: {  	[sflag:s24] =	ssyncset.done $0x0  }
0x82: {  	s28 =	simm.s32 $0x0;
	[sflag:s24] =	ssyncadd.s32 $0xFFFFC000  }
0x83: {  	[tilespmem:s28], [sflag:$0x5] =	stream.linear.gather [hbm4b:s12+s28], $0x1400, $0x38;
	[tilespmem:$0x1E400] =	vst v63  }
0x84: {  	_ =	swait.ge [sflag:s17], $0x1400  }
0x85: {  	[sflag:s17] =	ssyncset.done $0x0  }
0x86: {  	[sflag:s17] =	ssyncadd.s32 $0xFFFFEC00  }
0x87: {  	[tilespmem:s19], [sflag:$0x5] =	stream.linear.gather [hbm4b:s13+s28], $0x1400, $0x38;
	[tilespmem:$0x1E400] =	vst v63  }
0x88: {  	_ =	swait.ge [sflag:s17], $0x1400  }
0x89: {  	[sflag:s17] =	ssyncset.done $0x0  }
0x8a: {  	[sflag:s17] =	ssyncadd.s32 $0xFFFFEC00  }
0x8b: {  	[tilespmem:s16], [sflag:$0x1] =	stream.indirect.gather [hbm4b:s0+s20], $0x80, s28, s20, $0xb8;
	[tilespmem:$0x1E400] =	vst v63  }
0x8c: {  	_ = 	snop  }
0x8d: {  	[tilespmem:s18], [sflag:$0x2] =	stream.indirect.gather [hbm4b:s0+s20], $0x80, s20, s20, $0xb8;
	[tilespmem:$0x1E400] =	vst v63  }
0x8e: {  	_ =	swait.ge [sflag:s21], $0x4000  }
0x8f: {  	[sflag:s21] =	ssyncset.done $0x0  }
0x90: {  	s28 =	simm.s32 $0x1400;
	[sflag:s21] =	ssyncadd.s32 $0xFFFFC000  }
0x91: {  	[spmem:s3] =	stream.indirect.scatter.add.f32 [tilespmem:s16], [sflag:$0x3], $0x80, s28, s20, $0xb8;
	[tilespmem:$0x1E400] =	vst v63  }
0x92: {  	_ =	swait.ge [sflag:s22], $0x4000  }
0x93: {  	[sflag:s22] =	ssyncset.done $0x0  }
0x94: {  	s28 =	simm.s32 $0x100;
	[sflag:s22] =	ssyncadd.s32 $0xFFFFC000  }
0x95: {  	[tilespmem:s16], [sflag:$0x1] =	stream.indirect.gather [hbm4b:s0+s20], $0x80, s28, s20, $0xb8;
	[tilespmem:$0x1E400] =	vst v63  }
0x96: {  	_ =	swait.ge [sflag:s23], $0x4000  }
0x97: {  	[sflag:s23] =	ssyncset.done $0x0  }
0x98: {  	s28 =	simm.s32 $0x1480;
	[sflag:s23] =	ssyncadd.s32 $0xFFFFC000  }
0x99: {  	[spmem:s3] =	stream.indirect.scatter.add.f32 [tilespmem:s18], [sflag:$0x4], $0x80, s28, s20, $0xb8;
	[tilespmem:$0x1E400] =	vst v63  }
0x9a: {  	_ =	swait.ge [sflag:s24], $0x4000  }
0x9b: {  	[sflag:s24] =	ssyncset.done $0x0  }
0x9c: {  	s29 =	simm.s32 $0x180;
	s28 =	simm.s32 $0x400;
	[sflag:s24] =	ssyncadd.s32 $0xFFFFC000  }
.LBB2_6:
0x9d: {  	[tilespmem:s18], [sflag:$0x2] =	stream.indirect.gather [hbm4b:s0+s20], $0x80, s29, s20, $0xb8;
	[tilespmem:$0x1E400] =	vst v63  }
0x9e: {  	s29 =	smov.u32 s28  }
0x9f: {  	p0 =	sne.s32 s28, $0x4800;
	s28 =	sadd.s32 $0x400, s28;
	_ =	swait.ge [sflag:s21], $0x4000  }
0xa0: {  	s29 =	sshra.s32 s29, $0x2;
	[sflag:s21] =	ssyncset.done $0x0  }
0xa1: {  	s30 =	sadd.s32 $0x1400, s29;
	[sflag:s21] =	ssyncadd.s32 $0xFFFFC000  }
0xa2: {  	[spmem:s3] =	stream.indirect.scatter.add.f32 [tilespmem:s16], [sflag:$0x3], $0x80, s30, s20, $0xb8;
	[tilespmem:$0x1E400] =	vst v63  }
0xa3: {  	_ =	swait.ge [sflag:s22], $0x4000  }
0xa4: {  	[sflag:s22] =	ssyncset.done $0x0  }
0xa5: {  	s30 =	sadd.s32 $0x100, s29;
	[sflag:s22] =	ssyncadd.s32 $0xFFFFC000  }
0xa6: {  	[tilespmem:s16], [sflag:$0x1] =	stream.indirect.gather [hbm4b:s0+s20], $0x80, s30, s20, $0xb8;
	[tilespmem:$0x1E400] =	vst v63  }
0xa7: {  	_ =	swait.ge [sflag:s23], $0x4000  }
0xa8: {  	[sflag:s23] =	ssyncset.done $0x0  }
.Ltmp2:
0xa9: {  	s30 =	sadd.s32 $0x1480, s29;
	[sflag:s23] =	ssyncadd.s32 $0xFFFFC000;
	(pc) =	sbr.rel @p0 .LBB2_6-.Ltmp2, $4  }
0xaa: {  	[spmem:s3] =	stream.indirect.scatter.add.f32 [tilespmem:s18], [sflag:$0x4], $0x80, s30, s20, $0xb8;
	[tilespmem:$0x1E400] =	vst v63  }
0xab: {  	_ =	swait.ge [sflag:s24], $0x4000  }
0xac: {  	[sflag:s24] =	ssyncset.done $0x0  }
0xad: {  	s29 =	sadd.s32 $0x180, s29;
	[sflag:s24] =	ssyncadd.s32 $0xFFFFC000  }
0xae: {  	[tilespmem:s18], [sflag:$0x2] =	stream.indirect.gather [hbm4b:s0+s20], $0x80, s29, s20, $0xb8;
	[tilespmem:$0x1E400] =	vst v63  }
0xaf: {  	_ =	swait.ge [sflag:s21], $0x4000  }
0xb0: {  	[sflag:s21] =	ssyncset.done $0x0  }
0xb1: {  	[sflag:s21] =	ssyncadd.s32 $0xFFFFC000  }
0xb2: {  	[spmem:s3] =	stream.indirect.scatter.add.f32 [tilespmem:s16], [sflag:$0x3], $0x80, s25, s20, $0xb8;
	[tilespmem:$0x1E400] =	vst v63  }
0xb3: {  	_ =	swait.ge [sflag:s23], $0x4000  }
0xb4: {  	[sflag:s23] =	ssyncset.done $0x0  }
0xb5: {  	[sflag:s23] =	ssyncadd.s32 $0xFFFFC000  }
0xb6: {  	[spmem:s3] =	stream.indirect.scatter.add.f32 [tilespmem:s18], [sflag:$0x4], $0x80, s26, s20, $0xb8;
	[tilespmem:$0x1E400] =	vst v63  }
0xb7: {  	_ =	swait.ge [sflag:s22], $0x4000  }
0xb8: {  	[sflag:s22] =	ssyncset.done $0x0  }
0xb9: {  	[sflag:s22] =	ssyncadd.s32 $0xFFFFC000  }
0xba: {  	_ =	swait.ge [sflag:s24], $0x4000  }
0xbb: {  	s28 =	sshll.u32 s2, $0x6;
	s4 =	sadd.s32 $0x1, s4;
	[sflag:s24] =	ssyncset.done $0x0  }
0xbc: {  	s31 =	sshrl.u32 s5, $0x3;
	p0 =	sne.s32 s4, s15;
	[sflag:s24] =	ssyncadd.s32 $0xFFFFC000  }
.Ltmp3:
0xbd: {  	s28 =	sor.u32 $0x1C05, s28;
	[bflag:$0x0] =	sbarrier.arrive $0xFFFF;
	(pc) =	sbr.rel @p0 .LBB2_1-.Ltmp3, $4  }
0xbe: {  	[hbm:s14], [sflag:s28] =	dma.local [spmem:s31], $0x2780  }
0xbf: {  	_ =	swait.ge [sflag:s17], $0x2780  }
0xc0: {  	[sflag:s17] =	ssyncset.done $0x0  }
0xc1: {  	[sflag:s17] =	ssyncadd.s32 $0xFFFFD880  }
0xc2: {  	_ =	sfence.sel $0x180000  }
0xc3: {  	[bflag:$0x0] =	sbarrier.arrive $0xFFFF  }
0xc4: {  	p0 =	sne.s32 s2, $0x0;
	_ =	strace $0x9000004A  }
0xc5: {  	s0 =	sadd.s32 @!p0 $0x100000, s1;
	[bflag:$0x2] =	sbarrier.arrive $0xFFFF  }
0xc6: {  	[sflag:s0] =	ssyncadd.tile.s32 @!p0 $0x1;
	_ =	shalt  }
.Lfunc_end2:
_tile_overlayer_lowered:
.L_overlay_start_2:
0xc7: {  	(tag) =	ssettag $0x2  }
0xc8: {  	s0 =	rddreg [dreg:$0x0];
	s2 =	stileid.u32  }
0xc9: {  	s1 =	rddreg [dreg:$0x1];
	p0 =	sne.s32 s2, $0x0  }
0xca: {  	s3 =	rddreg [dreg:$0x2];
	[bflag:$0x3] =	sbarrier.arrive $0xFFFF;
	s2 =	simm.s32 @!p0 $0x1C05  }
0xcb: {  	[timem:s3], [sflag:s2] =	dma.local @!p0 [hbm:s0], s1  }
0xcc: {  	s0 =	simm.s32 @!p0 $0x5  }
0xcd: {  	_ =	swait.ge @!p0 [sflag:s0], s1  }
0xce: {  	s1 =	ssub.s32 @!p0 $0x0, s1;
	[sflag:s0] =	ssyncset.done @!p0 $0x0  }
0xcf: {  	[sflag:s0] =	ssyncadd.s32 @!p0 s1  }
0xd0: {  	[bflag:$0x3] =	sbarrier.arrive $0xFFFF  }
0xd1: {  	_ =	shalt  }

</sc_bundles>
